<compile_context>
chip_gen: v7x
topology: tpu7x:2x2x1
jax: 0.10.2.dev20260603
libtpu: 0.0.44.dev20260713+nightly
codegen_flags: <defaults>
</compile_context>

<pallas_src>
import functools

import jax
import jax.numpy as jnp
from jax import lax
from jax.experimental import pallas as pl
from jax.experimental.pallas import tpu as pltpu
from jax.experimental.pallas import tpu_sc as plsc

N = 10000
E = 320000
D_IN = 128
HID = 64

NC = 2
NS = 16
NW = NC * NS

CH = 128
TOTAL_CH = E // CH
CH_LO = TOTAL_CH // NW
CH_REM = TOTAL_CH - CH_LO * NW
CPT_MAX = CH_LO + 1
N_PAD = 10240
RPT = N_PAD // NS
BLK = 2560
NBLK = N_PAD // BLK

_mesh = plsc.VectorSubcoreMesh(core_axis_name="c", subcore_axis_name="s")


def _tile_chunks(w):
    nch = jnp.where(w < CH_REM, CH_LO + 1, CH_LO)
    base = w * CH_LO + jnp.minimum(w, CH_REM)
    base_l = jnp.minimum(base, TOTAL_CH - CPT_MAX)
    off = base - base_l
    return base_l, off, nch


def _deg_body(ei_ref, out_ref, dstv, ones_v, zb, deg_sh, dsem0, dsem1):
    c = lax.axis_index("c")
    s = lax.axis_index("s")
    w = c * NS + s
    base_l, off, nch = _tile_chunks(w)
    for i in range(8):
        ones_v[pl.ds(i * 16, 16)] = jnp.ones((16,), jnp.float32)
    for i in range(RPT // 16):
        zb[pl.ds(i * 16, 16)] = jnp.zeros((16,), jnp.float32)
    pltpu.sync_copy(zb, deg_sh.at[pl.ds(s * RPT, RPT)])
    pltpu.sync_copy(ei_ref.at[1, pl.ds(base_l, CPT_MAX)], dstv)
    plsc.subcore_barrier()

    def ones_wait(sem):
        return pltpu.make_async_copy(ones_v, deg_sh.at[dstv.at[off]], sem)

    def body(i, carry):
        for par, sem in ((0, dsem0), (1, dsem1)):
            j = 2 * i + par

            @pl.when(j < nch)
            def _():
                @pl.when(j >= 2)
                def _():
                    ones_wait(sem).wait()
                pltpu.async_copy(ones_v, deg_sh.at[dstv.at[j + off]], sem,
                                 add=True)

        return carry

    lax.fori_loop(0, (CPT_MAX + 1) // 2, body, 0)
    ones_wait(dsem0).wait()
    ones_wait(dsem1).wait()
    plsc.subcore_barrier()
    pltpu.sync_copy(deg_sh.at[pl.ds(s * RPT, RPT)], zb)
    pltpu.sync_copy(zb, out_ref.at[c, pl.ds(s * RPT, RPT)])


_deg_call = functools.partial(
    pl.kernel,
    out_type=jax.ShapeDtypeStruct((NC, N_PAD), jnp.float32),
    mesh=_mesh,
    compiler_params=pltpu.CompilerParams(use_tc_tiling_on_sc=False),
    scratch_types=[
        pltpu.VMEM((CPT_MAX, CH), jnp.int32),
        pltpu.VMEM((CH,), jnp.float32),
        pltpu.VMEM((RPT,), jnp.float32),
        pltpu.VMEM_SHARED((N_PAD,), jnp.float32),
        pltpu.SemaphoreType.DMA,
        pltpu.SemaphoreType.DMA,
    ],
)(_deg_body)


def _agg_body(g_ref, ei_ref, out_ref,
              srcv, dstv, rows0, rows1, bounce, g_sh, acc_sh, sem0, sem1):
    c = lax.axis_index("c")
    s = lax.axis_index("s")
    w = c * NS + s
    base_l, off, nch = _tile_chunks(w)

    pltpu.sync_copy(g_ref.at[pl.ds(s * RPT, RPT)], bounce)
    pltpu.sync_copy(bounce, g_sh.at[pl.ds(s * RPT, RPT)])
    pltpu.sync_copy(bounce, acc_sh.at[pl.ds(s * RPT, RPT)])
    pltpu.sync_copy(ei_ref.at[0, pl.ds(base_l, CPT_MAX)], srcv)
    pltpu.sync_copy(ei_ref.at[1, pl.ds(base_l, CPT_MAX)], dstv)
    plsc.subcore_barrier()

    def gather(j, rows, sem):
        return pltpu.make_async_copy(g_sh.at[srcv.at[j + off]], rows, sem)

    def scatter_add(j, rows):
        pltpu.sync_copy(rows, acc_sh.at[dstv.at[j + off]], add=True)

    gather(0, rows0, sem0).start()

    def body(i, carry):
        j = 2 * i

        @pl.when(j + 1 < nch)
        def _():
            gather(j + 1, rows1, sem1).start()

        @pl.when(j < nch)
        def _():
            gather(j, rows0, sem0).wait()
            scatter_add(j, rows0)

        @pl.when(j + 2 < nch)
        def _():
            gather(j + 2, rows0, sem0).start()

        @pl.when(j + 1 < nch)
        def _():
            gather(j + 1, rows1, sem1).wait()
            scatter_add(j + 1, rows1)

        return carry

    lax.fori_loop(0, (CPT_MAX + 1) // 2, body, 0)
    plsc.subcore_barrier()
    pltpu.sync_copy(acc_sh.at[pl.ds(s * RPT, RPT)], bounce)
    pltpu.sync_copy(bounce, out_ref.at[c, pl.ds(s * RPT, RPT)])


_agg_call = functools.partial(
    pl.kernel,
    out_type=jax.ShapeDtypeStruct((NC, N_PAD, HID), jnp.bfloat16),
    mesh=_mesh,
    compiler_params=pltpu.CompilerParams(use_tc_tiling_on_sc=False),
    scratch_types=[
        pltpu.VMEM((CPT_MAX, CH), jnp.int32),
        pltpu.VMEM((CPT_MAX, CH), jnp.int32),
        pltpu.VMEM((CH, HID), jnp.bfloat16),
        pltpu.VMEM((CH, HID), jnp.bfloat16),
        pltpu.VMEM((RPT, HID), jnp.bfloat16),
        pltpu.VMEM_SHARED((N_PAD, HID), jnp.bfloat16),
        pltpu.VMEM_SHARED((N_PAD, HID), jnp.bfloat16),
        pltpu.SemaphoreType.DMA,
        pltpu.SemaphoreType.DMA,
    ],
)(_agg_body)


def _mm1_body(x_ref, w_ref, d0_ref, d1_ref, g_ref, dinv_ref):
    i = pl.program_id(0)
    deg = 1.0 + d0_ref[...] + d1_ref[...]
    dinv = lax.rsqrt(deg)
    t = jnp.dot(x_ref[...], w_ref[...],
                preferred_element_type=jnp.float32,
                precision=lax.Precision.HIGHEST)
    rows = lax.broadcasted_iota(jnp.int32, (BLK, 1), 0) + i * BLK
    g_ref[...] = jnp.where(rows < N, dinv * t, 0.0).astype(jnp.bfloat16)
    dinv_ref[...] = dinv


def _mm1_call(x, w1, d0, d1):
    return pl.pallas_call(
        _mm1_body,
        grid=(NBLK,),
        in_specs=[
            pl.BlockSpec((BLK, D_IN), lambda i: (i, 0)),
            pl.BlockSpec((D_IN, HID), lambda i: (0, 0)),
            pl.BlockSpec((BLK, 1), lambda i: (i, 0)),
            pl.BlockSpec((BLK, 1), lambda i: (i, 0)),
        ],
        out_specs=[
            pl.BlockSpec((BLK, HID), lambda i: (i, 0)),
            pl.BlockSpec((BLK, 1), lambda i: (i, 0)),
        ],
        out_shape=[
            jax.ShapeDtypeStruct((N_PAD, HID), jnp.bfloat16),
            jax.ShapeDtypeStruct((N_PAD, 1), jnp.float32),
        ],
    )(x, w1, d0, d1)


def _mm2_body(agg_ref, g_ref, dinv_ref, b_ref, w_ref, g2_ref):
    i = pl.program_id(0)
    dinv = dinv_ref[...]
    a = (agg_ref[0].astype(jnp.float32) + agg_ref[1].astype(jnp.float32)
         - g_ref[...].astype(jnp.float32))
    h = jnp.maximum(dinv * a + b_ref[...], 0.0)
    t = jnp.dot(h, w_ref[...],
                preferred_element_type=jnp.float32,
                precision=lax.Precision.HIGHEST)
    rows = lax.broadcasted_iota(jnp.int32, (BLK, 1), 0) + i * BLK
    g2_ref[...] = jnp.where(rows < N, dinv * t, 0.0).astype(jnp.bfloat16)


def _mm2_call(agg, g, dinv, b1r, w2):
    return pl.pallas_call(
        _mm2_body,
        grid=(NBLK,),
        in_specs=[
            pl.BlockSpec((NC, BLK, HID), lambda i: (0, i, 0)),
            pl.BlockSpec((BLK, HID), lambda i: (i, 0)),
            pl.BlockSpec((BLK, 1), lambda i: (i, 0)),
            pl.BlockSpec((1, HID), lambda i: (0, 0)),
            pl.BlockSpec((HID, HID), lambda i: (0, 0)),
        ],
        out_specs=pl.BlockSpec((BLK, HID), lambda i: (i, 0)),
        out_shape=jax.ShapeDtypeStruct((N_PAD, HID), jnp.bfloat16),
    )(agg, g, dinv, b1r, w2)


def _fin_body(agg_ref, g_ref, dinv_ref, b_ref, wfc_ref, bfc_ref, out_ref, acc):
    i = pl.program_id(0)
    dinv = dinv_ref[...]
    a = (agg_ref[0].astype(jnp.float32) + agg_ref[1].astype(jnp.float32)
         - g_ref[...].astype(jnp.float32))
    h = jnp.maximum(dinv * a + b_ref[...], 0.0)
    rows = lax.broadcasted_iota(jnp.int32, (BLK, 1), 0) + i * BLK
    h = jnp.where(rows < N, h, 0.0)
    part = jnp.sum(h, axis=0, keepdims=True)
    acc[...] = jnp.where(i == 0, part, acc[...] + part)

    @pl.when(i == NBLK - 1)
    def _():
        pooled = acc[...] * (1.0 / N)
        out_ref[...] = jnp.dot(pooled, wfc_ref[...],
                               preferred_element_type=jnp.float32,
                               precision=lax.Precision.HIGHEST) + bfc_ref[...]


def _fin_call(agg, g, dinv, b2r, wfcr, bfcr):
    return pl.pallas_call(
        _fin_body,
        grid=(NBLK,),
        in_specs=[
            pl.BlockSpec((NC, BLK, HID), lambda i: (0, i, 0)),
            pl.BlockSpec((BLK, HID), lambda i: (i, 0)),
            pl.BlockSpec((BLK, 1), lambda i: (i, 0)),
            pl.BlockSpec((1, HID), lambda i: (0, 0)),
            pl.BlockSpec((HID, 2), lambda i: (0, 0)),
            pl.BlockSpec((1, 2), lambda i: (0, 0)),
        ],
        out_specs=pl.BlockSpec((1, 2), lambda i: (0, 0)),
        out_shape=jax.ShapeDtypeStruct((1, 2), jnp.float32),
        scratch_shapes=[pltpu.VMEM((1, HID), jnp.float32)],
    )(agg, g, dinv, b2r, wfcr, bfcr)


def kernel(x, edge_index, W1, b1, W2, b2, Wfc, bfc):
    ei3 = edge_index.reshape(2, TOTAL_CH, CH)

    deg2 = _deg_call(ei3)
    d0 = deg2[0][:, None]
    d1 = deg2[1][:, None]

    g1, dinv = _mm1_call(x, W1, d0, d1)
    agg1 = _agg_call(g1, ei3)
    g2 = _mm2_call(agg1, g1, dinv, b1.reshape(1, HID), W2)
    agg2 = _agg_call(g2, ei3)
    out = _fin_call(agg2, g2, dinv, b2.reshape(1, HID),
                    Wfc, bfc.reshape(1, 2))
    return out.reshape(2)

# --- scband reference (transcript-rebuilt; emitter-appended) ---
"""Pipeline reference for scband-dl-gnn-24979529793811 (READ-ONLY COPY).

The authoritative reference and input builder live on the scoring server;
editing this copy changes nothing except your own understanding.
"""

import jax, jax.numpy as jnp
import numpy as np

N = 10000
E = 320000
D_IN = 128
HID = 64
D_OUT = 64


def setup_inputs(seed: int = 0) -> dict:
    key = jax.random.key(seed)
    k1, k2, k3, k4, k5, k6, k7, k8 = jax.random.split(key, 8)
    x = jax.random.normal(k1, (N, D_IN), dtype=jnp.float32)
    edge_index = jax.random.randint(k2, (2, E), 0, N, dtype=jnp.int32)
    W1 = jax.random.normal(k3, (D_IN, HID), dtype=jnp.float32) * (1.0 / np.sqrt(D_IN))
    b1 = jnp.zeros((HID,), dtype=jnp.float32)
    W2 = jax.random.normal(k4, (HID, D_OUT), dtype=jnp.float32) * (1.0 / np.sqrt(HID))
    b2 = jnp.zeros((D_OUT,), dtype=jnp.float32)
    Wfc = jax.random.normal(k5, (D_OUT, 2), dtype=jnp.float32) * (1.0 / np.sqrt(D_OUT))
    bfc = jnp.zeros((2,), dtype=jnp.float32)
    return {"x": x, "edge_index": edge_index, "W1": W1, "b1": b1, "W2": W2, "b2": b2, "Wfc": Wfc, "bfc": bfc}


def _gcn_conv(x, edge_index, W, b):
    # GCNConv: x' = D^{-1/2} (A + I) D^{-1/2} (x W) + b
    src = edge_index[0]
    dst = edge_index[1]
    loop = jnp.arange(N, dtype=src.dtype)
    src = jnp.concatenate([src, loop])
    dst = jnp.concatenate([dst, loop])
    h = x @ W
    deg = jnp.zeros((N,), dtype=h.dtype).at[dst].add(1.0)
    dinv = jnp.where(deg > 0, jax.lax.rsqrt(deg), 0.0)
    norm = dinv[src] * dinv[dst]
    msg = h[src] * norm[:, None]
    out = jnp.zeros((N, W.shape[1]), dtype=h.dtype).at[dst].add(msg)
    return out + b


def reference(x, edge_index, W1, b1, W2, b2, Wfc, bfc):
    h = jax.nn.relu(_gcn_conv(x, edge_index, W1, b1))
    h = jax.nn.relu(_gcn_conv(h, edge_index, W2, b2))
    pooled = jnp.mean(h, axis=0)
    return pooled @ Wfc + bfc

if __name__ == "__main__":
    import jax
    _d = setup_inputs()
    print(jax.jit(kernel)(*tuple(_d.values())))

</pallas_src>

<mosaic_0001>
#map = affine_map<(d0, d1) -> (0, 0)>
#map1 = affine_map<(d0, d1) -> (0, 0, 0)>
module attributes {stable_mosaic.version = 14 : i64} {
  func.func @_agg_body(%arg0: i32, %arg1: i32, %arg2: memref<10240x64xbf16, #tpu.memory_space<hbm>>, %arg3: memref<2x2500x128xi32, #tpu.memory_space<hbm>>, %arg4: memref<2x10240x64xbf16, #tpu.memory_space<hbm>>, %arg5: memref<79x128xi32, #tpu.memory_space<vmem>>, %arg6: memref<79x128xi32, #tpu.memory_space<vmem>>, %arg7: memref<128x64xbf16, #tpu.memory_space<vmem>>, %arg8: memref<128x64xbf16, #tpu.memory_space<vmem>>, %arg9: memref<640x64xbf16, #tpu.memory_space<vmem>>, %arg10: memref<10240x64xbf16, #tpu.memory_space<vmem_shared>>, %arg11: memref<10240x64xbf16, #tpu.memory_space<vmem_shared>>, %arg12: memref<!tpu.dma_semaphore, #tpu.memory_space<semaphore_mem>>, %arg13: memref<!tpu.dma_semaphore, #tpu.memory_space<semaphore_mem>>) attributes {dimension_semantics = [#tpu.dimension_semantics<core_parallel>, #tpu.dimension_semantics<subcore_parallel>], iteration_bounds = array<i64: 2, 16>, scalar_prefetch = 0 : i64, scratch_operands = 9 : i64, tpu.core_type = #tpu.core_type<sc_vector_subcore>, window_params = [{transform_indices = #map}, {transform_indices = #map1}, {transform_indices = #map1}]} {
    %mul3A = arith.constant 16 : i32
    %mul3A_0 = arith.muli %arg0, %mul3A : i32
    %add3A = arith.addi %mul3A_0, %arg1 : i32
    %lt3A = arith.constant 4 : i32
    %lt3A_1 = arith.cmpi slt, %add3A, %lt3A : i32
    %jit3A = arith.constant 79 : i32
    %jit3A_2 = arith.constant 78 : i32
    %select_n3A = arith.select %lt3A_1, %jit3A, %jit3A_2 : i32
    %mul3A_3 = arith.constant 78 : i32
    %mul3A_4 = arith.muli %add3A, %mul3A_3 : i32
    %min3A = arith.constant 4 : i32
    %min3A_5 = arith.minsi %add3A, %min3A : i32
    %add3A_6 = arith.addi %mul3A_4, %min3A_5 : i32
    %min3A_7 = arith.constant 2421 : i32
    %min3A_8 = arith.minsi %add3A_6, %min3A_7 : i32
    %sub3A = arith.subi %add3A_6, %min3A_8 : i32
    %mul3A_9 = arith.constant 640 : i32
    %mul3A_10 = arith.muli %arg1, %mul3A_9 : i32
    "tpu.region"() ({
      %run_scoped3A_33 = tpu.sem_alloc : memref<!tpu.dma_semaphore, #tpu.memory_space<semaphore_mem>>
      %dma_start3A_34 = arith.constant 0 : i32
      %dma_start3A_35 = tpu.memref_slice %arg2[%mul3A_10, %dma_start3A_34] : memref<10240x64xbf16, #tpu.memory_space<hbm>> -> memref<640x64xbf16, #tpu.memory_space<hbm>>
      %dma_start3A_36 = arith.constant 0 : i32
      %dma_start3A_37 = tpu.memref_slice %arg2[%mul3A_10, %dma_start3A_36] : memref<10240x64xbf16, #tpu.memory_space<hbm>> -> memref<640x64xbf16, #tpu.memory_space<hbm>>
      tpu.enqueue_dma source(%dma_start3A_37 : memref<640x64xbf16, #tpu.memory_space<hbm>>) target(%arg9 : memref<640x64xbf16, #tpu.memory_space<vmem>>) target_semaphore(%run_scoped3A_33 : memref<!tpu.dma_semaphore, #tpu.memory_space<semaphore_mem>>)
      %dma_wait3A = arith.constant 0 : i32
      %dma_wait3A_38 = tpu.memref_slice %arg2[%mul3A_10, %dma_wait3A] : memref<10240x64xbf16, #tpu.memory_space<hbm>> -> memref<640x64xbf16, #tpu.memory_space<hbm>>
      %dma_wait3A_39 = arith.constant 0 : i32
      %dma_wait3A_40 = tpu.memref_slice %arg2[%mul3A_10, %dma_wait3A_39] : memref<10240x64xbf16, #tpu.memory_space<hbm>> -> memref<640x64xbf16, #tpu.memory_space<hbm>>
      tpu.wait_dma2 semaphore(%run_scoped3A_33 : memref<!tpu.dma_semaphore, #tpu.memory_space<semaphore_mem>>) src(%dma_wait3A_40 : memref<640x64xbf16, #tpu.memory_space<hbm>>) dst(%arg9 : memref<640x64xbf16, #tpu.memory_space<vmem>>)
      tpu.yield
    }) : () -> ()
    %mul3A_11 = arith.constant 640 : i32
    %mul3A_12 = arith.muli %arg1, %mul3A_11 : i32
    "tpu.region"() ({
      %run_scoped3A_33 = tpu.sem_alloc : memref<!tpu.dma_semaphore, #tpu.memory_space<semaphore_mem>>
      %dma_start3A_34 = arith.constant 0 : i32
      %dma_start3A_35 = tpu.memref_slice %arg10[%mul3A_12, %dma_start3A_34] : memref<10240x64xbf16, #tpu.memory_space<vmem_shared>> -> memref<640x64xbf16, #tpu.memory_space<vmem_shared>>
      %dma_start3A_36 = arith.constant 0 : i32
      %dma_start3A_37 = tpu.memref_slice %arg10[%mul3A_12, %dma_start3A_36] : memref<10240x64xbf16, #tpu.memory_space<vmem_shared>> -> memref<640x64xbf16, #tpu.memory_space<vmem_shared>>
      tpu.enqueue_dma source(%arg9 : memref<640x64xbf16, #tpu.memory_space<vmem>>) target(%dma_start3A_37 : memref<640x64xbf16, #tpu.memory_space<vmem_shared>>) target_semaphore(%run_scoped3A_33 : memref<!tpu.dma_semaphore, #tpu.memory_space<semaphore_mem>>)
      %dma_wait3A = arith.constant 0 : i32
      %dma_wait3A_38 = tpu.memref_slice %arg10[%mul3A_12, %dma_wait3A] : memref<10240x64xbf16, #tpu.memory_space<vmem_shared>> -> memref<640x64xbf16, #tpu.memory_space<vmem_shared>>
      %dma_wait3A_39 = arith.constant 0 : i32
      %dma_wait3A_40 = tpu.memref_slice %arg10[%mul3A_12, %dma_wait3A_39] : memref<10240x64xbf16, #tpu.memory_space<vmem_shared>> -> memref<640x64xbf16, #tpu.memory_space<vmem_shared>>
      tpu.wait_dma2 semaphore(%run_scoped3A_33 : memref<!tpu.dma_semaphore, #tpu.memory_space<semaphore_mem>>) src(%arg9 : memref<640x64xbf16, #tpu.memory_space<vmem>>) dst(%dma_wait3A_40 : memref<640x64xbf16, #tpu.memory_space<vmem_shared>>)
      tpu.yield
    }) : () -> ()
    %mul3A_13 = arith.constant 640 : i32
    %mul3A_14 = arith.muli %arg1, %mul3A_13 : i32
    "tpu.region"() ({
      %run_scoped3A_33 = tpu.sem_alloc : memref<!tpu.dma_semaphore, #tpu.memory_space<semaphore_mem>>
      %dma_start3A_34 = arith.constant 0 : i32
      %dma_start3A_35 = tpu.memref_slice %arg11[%mul3A_14, %dma_start3A_34] : memref<10240x64xbf16, #tpu.memory_space<vmem_shared>> -> memref<640x64xbf16, #tpu.memory_space<vmem_shared>>
      %dma_start3A_36 = arith.constant 0 : i32
      %dma_start3A_37 = tpu.memref_slice %arg11[%mul3A_14, %dma_start3A_36] : memref<10240x64xbf16, #tpu.memory_space<vmem_shared>> -> memref<640x64xbf16, #tpu.memory_space<vmem_shared>>
      tpu.enqueue_dma source(%arg9 : memref<640x64xbf16, #tpu.memory_space<vmem>>) target(%dma_start3A_37 : memref<640x64xbf16, #tpu.memory_space<vmem_shared>>) target_semaphore(%run_scoped3A_33 : memref<!tpu.dma_semaphore, #tpu.memory_space<semaphore_mem>>)
      %dma_wait3A = arith.constant 0 : i32
      %dma_wait3A_38 = tpu.memref_slice %arg11[%mul3A_14, %dma_wait3A] : memref<10240x64xbf16, #tpu.memory_space<vmem_shared>> -> memref<640x64xbf16, #tpu.memory_space<vmem_shared>>
      %dma_wait3A_39 = arith.constant 0 : i32
      %dma_wait3A_40 = tpu.memref_slice %arg11[%mul3A_14, %dma_wait3A_39] : memref<10240x64xbf16, #tpu.memory_space<vmem_shared>> -> memref<640x64xbf16, #tpu.memory_space<vmem_shared>>
      tpu.wait_dma2 semaphore(%run_scoped3A_33 : memref<!tpu.dma_semaphore, #tpu.memory_space<semaphore_mem>>) src(%arg9 : memref<640x64xbf16, #tpu.memory_space<vmem>>) dst(%dma_wait3A_40 : memref<640x64xbf16, #tpu.memory_space<vmem_shared>>)
      tpu.yield
    }) : () -> ()
    %run_scoped3A = arith.constant 0 : i32
    "tpu.region"() ({
      %run_scoped3A_33 = tpu.sem_alloc : memref<!tpu.dma_semaphore, #tpu.memory_space<semaphore_mem>>
      %dma_start3A_34 = arith.constant 0 : i32
      %dma_start3A_35 = tpu.memref_slice %arg3[%run_scoped3A, %min3A_8, %dma_start3A_34] : memref<2x2500x128xi32, #tpu.memory_space<hbm>> -> memref<1x79x128xi32, #tpu.memory_space<hbm>>
      %dma_start3A_36 = tpu.memref_squeeze %dma_start3A_35 : memref<1x79x128xi32, #tpu.memory_space<hbm>> -> memref<79x128xi32, #tpu.memory_space<hbm>>
      %dma_start3A_37 = arith.constant 0 : i32
      %dma_start3A_38 = tpu.memref_slice %arg3[%run_scoped3A, %min3A_8, %dma_start3A_37] : memref<2x2500x128xi32, #tpu.memory_space<hbm>> -> memref<1x79x128xi32, #tpu.memory_space<hbm>>
      %dma_start3A_39 = tpu.memref_squeeze %dma_start3A_38 : memref<1x79x128xi32, #tpu.memory_space<hbm>> -> memref<79x128xi32, #tpu.memory_space<hbm>>
      tpu.enqueue_dma source(%dma_start3A_39 : memref<79x128xi32, #tpu.memory_space<hbm>>) target(%arg5 : memref<79x128xi32, #tpu.memory_space<vmem>>) target_semaphore(%run_scoped3A_33 : memref<!tpu.dma_semaphore, #tpu.memory_space<semaphore_mem>>)
      %dma_wait3A = arith.constant 0 : i32
      %dma_wait3A_40 = tpu.memref_slice %arg3[%run_scoped3A, %min3A_8, %dma_wait3A] : memref<2x2500x128xi32, #tpu.memory_space<hbm>> -> memref<1x79x128xi32, #tpu.memory_space<hbm>>
      %dma_wait3A_41 = tpu.memref_squeeze %dma_wait3A_40 : memref<1x79x128xi32, #tpu.memory_space<hbm>> -> memref<79x128xi32, #tpu.memory_space<hbm>>
      %dma_wait3A_42 = arith.constant 0 : i32
      %dma_wait3A_43 = tpu.memref_slice %arg3[%run_scoped3A, %min3A_8, %dma_wait3A_42] : memref<2x2500x128xi32, #tpu.memory_space<hbm>> -> memref<1x79x128xi32, #tpu.memory_space<hbm>>
      %dma_wait3A_44 = tpu.memref_squeeze %dma_wait3A_43 : memref<1x79x128xi32, #tpu.memory_space<hbm>> -> memref<79x128xi32, #tpu.memory_space<hbm>>
      tpu.wait_dma2 semaphore(%run_scoped3A_33 : memref<!tpu.dma_semaphore, #tpu.memory_space<semaphore_mem>>) src(%dma_wait3A_44 : memref<79x128xi32, #tpu.memory_space<hbm>>) dst(%arg5 : memref<79x128xi32, #tpu.memory_space<vmem>>)
      tpu.yield
    }) : () -> ()
    %run_scoped3A_15 = arith.constant 1 : i32
    "tpu.region"() ({
      %run_scoped3A_33 = tpu.sem_alloc : memref<!tpu.dma_semaphore, #tpu.memory_space<semaphore_mem>>
      %dma_start3A_34 = arith.constant 0 : i32
      %dma_start3A_35 = tpu.memref_slice %arg3[%run_scoped3A_15, %min3A_8, %dma_start3A_34] : memref<2x2500x128xi32, #tpu.memory_space<hbm>> -> memref<1x79x128xi32, #tpu.memory_space<hbm>>
      %dma_start3A_36 = tpu.memref_squeeze %dma_start3A_35 : memref<1x79x128xi32, #tpu.memory_space<hbm>> -> memref<79x128xi32, #tpu.memory_space<hbm>>
      %dma_start3A_37 = arith.constant 0 : i32
      %dma_start3A_38 = tpu.memref_slice %arg3[%run_scoped3A_15, %min3A_8, %dma_start3A_37] : memref<2x2500x128xi32, #tpu.memory_space<hbm>> -> memref<1x79x128xi32, #tpu.memory_space<hbm>>
      %dma_start3A_39 = tpu.memref_squeeze %dma_start3A_38 : memref<1x79x128xi32, #tpu.memory_space<hbm>> -> memref<79x128xi32, #tpu.memory_space<hbm>>
      tpu.enqueue_dma source(%dma_start3A_39 : memref<79x128xi32, #tpu.memory_space<hbm>>) target(%arg6 : memref<79x128xi32, #tpu.memory_space<vmem>>) target_semaphore(%run_scoped3A_33 : memref<!tpu.dma_semaphore, #tpu.memory_space<semaphore_mem>>)
      %dma_wait3A = arith.constant 0 : i32
      %dma_wait3A_40 = tpu.memref_slice %arg3[%run_scoped3A_15, %min3A_8, %dma_wait3A] : memref<2x2500x128xi32, #tpu.memory_space<hbm>> -> memref<1x79x128xi32, #tpu.memory_space<hbm>>
      %dma_wait3A_41 = tpu.memref_squeeze %dma_wait3A_40 : memref<1x79x128xi32, #tpu.memory_space<hbm>> -> memref<79x128xi32, #tpu.memory_space<hbm>>
      %dma_wait3A_42 = arith.constant 0 : i32
      %dma_wait3A_43 = tpu.memref_slice %arg3[%run_scoped3A_15, %min3A_8, %dma_wait3A_42] : memref<2x2500x128xi32, #tpu.memory_space<hbm>> -> memref<1x79x128xi32, #tpu.memory_space<hbm>>
      %dma_wait3A_44 = tpu.memref_squeeze %dma_wait3A_43 : memref<1x79x128xi32, #tpu.memory_space<hbm>> -> memref<79x128xi32, #tpu.memory_space<hbm>>
      tpu.wait_dma2 semaphore(%run_scoped3A_33 : memref<!tpu.dma_semaphore, #tpu.memory_space<semaphore_mem>>) src(%dma_wait3A_44 : memref<79x128xi32, #tpu.memory_space<hbm>>) dst(%arg6 : memref<79x128xi32, #tpu.memory_space<vmem>>)
      tpu.yield
    }) : () -> ()
    %barrier3A = arith.constant 0 : index
    tpu.barrier barrier_id(%barrier3A)
    %add3A_16 = arith.constant 0 : i32
    %add3A_17 = arith.addi %add3A_16, %sub3A : i32
    %dma_start3A = arith.constant 0 : i32
    %dma_start3A_18 = tpu.memref_slice %arg5[%add3A_17, %dma_start3A] : memref<79x128xi32, #tpu.memory_space<vmem>> -> memref<1x128xi32, #tpu.memory_space<vmem>>
    %dma_start3A_19 = tpu.memref_squeeze %dma_start3A_18 : memref<1x128xi32, #tpu.memory_space<vmem>> -> memref<128xi32, #tpu.memory_space<vmem>>
    %dma_start3A_20 = arith.constant 0 : i32
    %dma_start3A_21 = arith.constant 0 : i32
    %dma_start3A_22 = tpu.memref_slice %arg10[%dma_start3A_20, %dma_start3A_21] : memref<10240x64xbf16, #tpu.memory_space<vmem_shared>> -> memref<10240x64xbf16, #tpu.memory_space<vmem_shared>>
    tpu.enqueue_indirect_dma source(%dma_start3A_22 : memref<10240x64xbf16, #tpu.memory_space<vmem_shared>>) target(%arg7 : memref<128x64xbf16, #tpu.memory_space<vmem>>) offsets(%dma_start3A_19 : memref<128xi32, #tpu.memory_space<vmem>>) semaphore(%arg12 : memref<!tpu.dma_semaphore, #tpu.memory_space<semaphore_mem>>)
    %scan3A = arith.constant 0 : i32
    %scan3A_23 = arith.constant 0 : i32
    %scan3A_24 = arith.constant 40 : i32
    %scan3A_25 = arith.addi %scan3A_23, %scan3A_24 : i32
    %scan3A_26 = arith.constant 1 : i32
    scf.for %scan3A_33 = %scan3A_23 to %scan3A_25 step %scan3A_26  : i32 {
      %mul3A_34 = arith.constant 2 : i32
      %mul3A_35 = arith.muli %mul3A_34, %scan3A_33 : i32
      %add3A_36 = arith.constant 1 : i32
      %add3A_37 = arith.addi %mul3A_35, %add3A_36 : i32
      %lt3A_38 = arith.cmpi slt, %add3A_37, %select_n3A : i32
      %convert_element_type3A = arith.extui %lt3A_38 : i1 to i32
      %cond3A = arith.constant 0 : i32
      %cond3A_39 = arith.cmpi ne, %convert_element_type3A, %cond3A : i32
      scf.if %cond3A_39 {
        %add3A_56 = arith.constant 1 : i32
        %add3A_57 = arith.addi %mul3A_35, %add3A_56 : i32
        %add3A_58 = arith.addi %add3A_57, %sub3A : i32
        %dma_start3A_59 = arith.constant 0 : i32
        %dma_start3A_60 = tpu.memref_slice %arg5[%add3A_58, %dma_start3A_59] : memref<79x128xi32, #tpu.memory_space<vmem>> -> memref<1x128xi32, #tpu.memory_space<vmem>>
        %dma_start3A_61 = tpu.memref_squeeze %dma_start3A_60 : memref<1x128xi32, #tpu.memory_space<vmem>> -> memref<128xi32, #tpu.memory_space<vmem>>
        %dma_start3A_62 = arith.constant 0 : i32
        %dma_start3A_63 = arith.constant 0 : i32
        %dma_start3A_64 = tpu.memref_slice %arg10[%dma_start3A_62, %dma_start3A_63] : memref<10240x64xbf16, #tpu.memory_space<vmem_shared>> -> memref<10240x64xbf16, #tpu.memory_space<vmem_shared>>
        tpu.enqueue_indirect_dma source(%dma_start3A_64 : memref<10240x64xbf16, #tpu.memory_space<vmem_shared>>) target(%arg8 : memref<128x64xbf16, #tpu.memory_space<vmem>>) offsets(%dma_start3A_61 : memref<128xi32, #tpu.memory_space<vmem>>) semaphore(%arg13 : memref<!tpu.dma_semaphore, #tpu.memory_space<semaphore_mem>>)
      } else {
      }
      %lt3A_40 = arith.cmpi slt, %mul3A_35, %select_n3A : i32
      %convert_element_type3A_41 = arith.extui %lt3A_40 : i1 to i32
      %cond3A_42 = arith.constant 0 : i32
      %cond3A_43 = arith.cmpi ne, %convert_element_type3A_41, %cond3A_42 : i32
      scf.if %cond3A_43 {
        %add3A_56 = arith.addi %mul3A_35, %sub3A : i32
        %dma_wait3A = arith.constant 0 : i32
        %dma_wait3A_57 = tpu.memref_slice %arg5[%add3A_56, %dma_wait3A] : memref<79x128xi32, #tpu.memory_space<vmem>> -> memref<1x128xi32, #tpu.memory_space<vmem>>
        %dma_wait3A_58 = tpu.memref_squeeze %dma_wait3A_57 : memref<1x128xi32, #tpu.memory_space<vmem>> -> memref<128xi32, #tpu.memory_space<vmem>>
        %dma_wait3A_59 = arith.constant 0 : i32
        %dma_wait3A_60 = arith.constant 0 : i32
        %dma_wait3A_61 = tpu.memref_slice %arg10[%dma_wait3A_59, %dma_wait3A_60] : memref<10240x64xbf16, #tpu.memory_space<vmem_shared>> -> memref<10240x64xbf16, #tpu.memory_space<vmem_shared>>
        tpu.wait_indirect_dma semaphore(%arg12 : memref<!tpu.dma_semaphore, #tpu.memory_space<semaphore_mem>>) src(%dma_wait3A_61 : memref<10240x64xbf16, #tpu.memory_space<vmem_shared>>) dst(%arg7 : memref<128x64xbf16, #tpu.memory_space<vmem>>)
        %add3A_62 = arith.addi %mul3A_35, %sub3A : i32
        "tpu.region"() ({
          %run_scoped3A_63 = tpu.sem_alloc : memref<!tpu.dma_semaphore, #tpu.memory_space<semaphore_mem>>
          %dma_start3A_64 = arith.constant 0 : i32
          %dma_start3A_65 = tpu.memref_slice %arg6[%add3A_62, %dma_start3A_64] : memref<79x128xi32, #tpu.memory_space<vmem>> -> memref<1x128xi32, #tpu.memory_space<vmem>>
          %dma_start3A_66 = tpu.memref_squeeze %dma_start3A_65 : memref<1x128xi32, #tpu.memory_space<vmem>> -> memref<128xi32, #tpu.memory_space<vmem>>
          %dma_start3A_67 = arith.constant 0 : i32
          %dma_start3A_68 = arith.constant 0 : i32
          %dma_start3A_69 = tpu.memref_slice %arg11[%dma_start3A_67, %dma_start3A_68] : memref<10240x64xbf16, #tpu.memory_space<vmem_shared>> -> memref<10240x64xbf16, #tpu.memory_space<vmem_shared>>
          tpu.enqueue_indirect_dma source(%arg7 : memref<128x64xbf16, #tpu.memory_space<vmem>>) target(%dma_start3A_69 : memref<10240x64xbf16, #tpu.memory_space<vmem_shared>>) offsets(%dma_start3A_66 : memref<128xi32, #tpu.memory_space<vmem>>) semaphore(%run_scoped3A_63 : memref<!tpu.dma_semaphore, #tpu.memory_space<semaphore_mem>>) {add = true}
          %dma_wait3A_70 = arith.constant 0 : i32
          %dma_wait3A_71 = tpu.memref_slice %arg6[%add3A_62, %dma_wait3A_70] : memref<79x128xi32, #tpu.memory_space<vmem>> -> memref<1x128xi32, #tpu.memory_space<vmem>>
          %dma_wait3A_72 = tpu.memref_squeeze %dma_wait3A_71 : memref<1x128xi32, #tpu.memory_space<vmem>> -> memref<128xi32, #tpu.memory_space<vmem>>
          %dma_wait3A_73 = arith.constant 0 : i32
          %dma_wait3A_74 = arith.constant 0 : i32
          %dma_wait3A_75 = tpu.memref_slice %arg11[%dma_wait3A_73, %dma_wait3A_74] : memref<10240x64xbf16, #tpu.memory_space<vmem_shared>> -> memref<10240x64xbf16, #tpu.memory_space<vmem_shared>>
          tpu.wait_indirect_dma semaphore(%run_scoped3A_63 : memref<!tpu.dma_semaphore, #tpu.memory_space<semaphore_mem>>) src(%arg7 : memref<128x64xbf16, #tpu.memory_space<vmem>>) dst(%dma_wait3A_75 : memref<10240x64xbf16, #tpu.memory_space<vmem_shared>>)
          tpu.yield
        }) : () -> ()
      } else {
      }
      %add3A_44 = arith.constant 2 : i32
      %add3A_45 = arith.addi %mul3A_35, %add3A_44 : i32
      %lt3A_46 = arith.cmpi slt, %add3A_45, %select_n3A : i32
      %convert_element_type3A_47 = arith.extui %lt3A_46 : i1 to i32
      %cond3A_48 = arith.constant 0 : i32
      %cond3A_49 = arith.cmpi ne, %convert_element_type3A_47, %cond3A_48 : i32
      scf.if %cond3A_49 {
        %add3A_56 = arith.constant 2 : i32
        %add3A_57 = arith.addi %mul3A_35, %add3A_56 : i32
        %add3A_58 = arith.addi %add3A_57, %sub3A : i32
        %dma_start3A_59 = arith.constant 0 : i32
        %dma_start3A_60 = tpu.memref_slice %arg5[%add3A_58, %dma_start3A_59] : memref<79x128xi32, #tpu.memory_space<vmem>> -> memref<1x128xi32, #tpu.memory_space<vmem>>
        %dma_start3A_61 = tpu.memref_squeeze %dma_start3A_60 : memref<1x128xi32, #tpu.memory_space<vmem>> -> memref<128xi32, #tpu.memory_space<vmem>>
        %dma_start3A_62 = arith.constant 0 : i32
        %dma_start3A_63 = arith.constant 0 : i32
        %dma_start3A_64 = tpu.memref_slice %arg10[%dma_start3A_62, %dma_start3A_63] : memref<10240x64xbf16, #tpu.memory_space<vmem_shared>> -> memref<10240x64xbf16, #tpu.memory_space<vmem_shared>>
        tpu.enqueue_indirect_dma source(%dma_start3A_64 : memref<10240x64xbf16, #tpu.memory_space<vmem_shared>>) target(%arg7 : memref<128x64xbf16, #tpu.memory_space<vmem>>) offsets(%dma_start3A_61 : memref<128xi32, #tpu.memory_space<vmem>>) semaphore(%arg12 : memref<!tpu.dma_semaphore, #tpu.memory_space<semaphore_mem>>)
      } else {
      }
      %add3A_50 = arith.constant 1 : i32
      %add3A_51 = arith.addi %mul3A_35, %add3A_50 : i32
      %lt3A_52 = arith.cmpi slt, %add3A_51, %select_n3A : i32
      %convert_element_type3A_53 = arith.extui %lt3A_52 : i1 to i32
      %cond3A_54 = arith.constant 0 : i32
      %cond3A_55 = arith.cmpi ne, %convert_element_type3A_53, %cond3A_54 : i32
      scf.if %cond3A_55 {
        %add3A_56 = arith.constant 1 : i32
        %add3A_57 = arith.addi %mul3A_35, %add3A_56 : i32
        %add3A_58 = arith.addi %add3A_57, %sub3A : i32
        %dma_wait3A = arith.constant 0 : i32
        %dma_wait3A_59 = tpu.memref_slice %arg5[%add3A_58, %dma_wait3A] : memref<79x128xi32, #tpu.memory_space<vmem>> -> memref<1x128xi32, #tpu.memory_space<vmem>>
        %dma_wait3A_60 = tpu.memref_squeeze %dma_wait3A_59 : memref<1x128xi32, #tpu.memory_space<vmem>> -> memref<128xi32, #tpu.memory_space<vmem>>
        %dma_wait3A_61 = arith.constant 0 : i32
        %dma_wait3A_62 = arith.constant 0 : i32
        %dma_wait3A_63 = tpu.memref_slice %arg10[%dma_wait3A_61, %dma_wait3A_62] : memref<10240x64xbf16, #tpu.memory_space<vmem_shared>> -> memref<10240x64xbf16, #tpu.memory_space<vmem_shared>>
        tpu.wait_indirect_dma semaphore(%arg13 : memref<!tpu.dma_semaphore, #tpu.memory_space<semaphore_mem>>) src(%dma_wait3A_63 : memref<10240x64xbf16, #tpu.memory_space<vmem_shared>>) dst(%arg8 : memref<128x64xbf16, #tpu.memory_space<vmem>>)
        %add3A_64 = arith.constant 1 : i32
        %add3A_65 = arith.addi %mul3A_35, %add3A_64 : i32
        %add3A_66 = arith.addi %add3A_65, %sub3A : i32
        "tpu.region"() ({
          %run_scoped3A_67 = tpu.sem_alloc : memref<!tpu.dma_semaphore, #tpu.memory_space<semaphore_mem>>
          %dma_start3A_68 = arith.constant 0 : i32
          %dma_start3A_69 = tpu.memref_slice %arg6[%add3A_66, %dma_start3A_68] : memref<79x128xi32, #tpu.memory_space<vmem>> -> memref<1x128xi32, #tpu.memory_space<vmem>>
          %dma_start3A_70 = tpu.memref_squeeze %dma_start3A_69 : memref<1x128xi32, #tpu.memory_space<vmem>> -> memref<128xi32, #tpu.memory_space<vmem>>
          %dma_start3A_71 = arith.constant 0 : i32
          %dma_start3A_72 = arith.constant 0 : i32
          %dma_start3A_73 = tpu.memref_slice %arg11[%dma_start3A_71, %dma_start3A_72] : memref<10240x64xbf16, #tpu.memory_space<vmem_shared>> -> memref<10240x64xbf16, #tpu.memory_space<vmem_shared>>
          tpu.enqueue_indirect_dma source(%arg8 : memref<128x64xbf16, #tpu.memory_space<vmem>>) target(%dma_start3A_73 : memref<10240x64xbf16, #tpu.memory_space<vmem_shared>>) offsets(%dma_start3A_70 : memref<128xi32, #tpu.memory_space<vmem>>) semaphore(%run_scoped3A_67 : memref<!tpu.dma_semaphore, #tpu.memory_space<semaphore_mem>>) {add = true}
          %dma_wait3A_74 = arith.constant 0 : i32
          %dma_wait3A_75 = tpu.memref_slice %arg6[%add3A_66, %dma_wait3A_74] : memref<79x128xi32, #tpu.memory_space<vmem>> -> memref<1x128xi32, #tpu.memory_space<vmem>>
          %dma_wait3A_76 = tpu.memref_squeeze %dma_wait3A_75 : memref<1x128xi32, #tpu.memory_space<vmem>> -> memref<128xi32, #tpu.memory_space<vmem>>
          %dma_wait3A_77 = arith.constant 0 : i32
          %dma_wait3A_78 = arith.constant 0 : i32
          %dma_wait3A_79 = tpu.memref_slice %arg11[%dma_wait3A_77, %dma_wait3A_78] : memref<10240x64xbf16, #tpu.memory_space<vmem_shared>> -> memref<10240x64xbf16, #tpu.memory_space<vmem_shared>>
          tpu.wait_indirect_dma semaphore(%run_scoped3A_67 : memref<!tpu.dma_semaphore, #tpu.memory_space<semaphore_mem>>) src(%arg8 : memref<128x64xbf16, #tpu.memory_space<vmem>>) dst(%dma_wait3A_79 : memref<10240x64xbf16, #tpu.memory_space<vmem_shared>>)
          tpu.yield
        }) : () -> ()
      } else {
      }
    }
    %scan3A_27 = arith.constant 40 : i32
    %barrier3A_28 = arith.constant 0 : index
    tpu.barrier barrier_id(%barrier3A_28)
    %mul3A_29 = arith.constant 640 : i32
    %mul3A_30 = arith.muli %arg1, %mul3A_29 : i32
    "tpu.region"() ({
      %run_scoped3A_33 = tpu.sem_alloc : memref<!tpu.dma_semaphore, #tpu.memory_space<semaphore_mem>>
      %dma_start3A_34 = arith.constant 0 : i32
      %dma_start3A_35 = tpu.memref_slice %arg11[%mul3A_30, %dma_start3A_34] : memref<10240x64xbf16, #tpu.memory_space<vmem_shared>> -> memref<640x64xbf16, #tpu.memory_space<vmem_shared>>
      %dma_start3A_36 = arith.constant 0 : i32
      %dma_start3A_37 = tpu.memref_slice %arg11[%mul3A_30, %dma_start3A_36] : memref<10240x64xbf16, #tpu.memory_space<vmem_shared>> -> memref<640x64xbf16, #tpu.memory_space<vmem_shared>>
      tpu.enqueue_dma source(%dma_start3A_37 : memref<640x64xbf16, #tpu.memory_space<vmem_shared>>) target(%arg9 : memref<640x64xbf16, #tpu.memory_space<vmem>>) target_semaphore(%run_scoped3A_33 : memref<!tpu.dma_semaphore, #tpu.memory_space<semaphore_mem>>)
      %dma_wait3A = arith.constant 0 : i32
      %dma_wait3A_38 = tpu.memref_slice %arg11[%mul3A_30, %dma_wait3A] : memref<10240x64xbf16, #tpu.memory_space<vmem_shared>> -> memref<640x64xbf16, #tpu.memory_space<vmem_shared>>
      %dma_wait3A_39 = arith.constant 0 : i32
      %dma_wait3A_40 = tpu.memref_slice %arg11[%mul3A_30, %dma_wait3A_39] : memref<10240x64xbf16, #tpu.memory_space<vmem_shared>> -> memref<640x64xbf16, #tpu.memory_space<vmem_shared>>
      tpu.wait_dma2 semaphore(%run_scoped3A_33 : memref<!tpu.dma_semaphore, #tpu.memory_space<semaphore_mem>>) src(%dma_wait3A_40 : memref<640x64xbf16, #tpu.memory_space<vmem_shared>>) dst(%arg9 : memref<640x64xbf16, #tpu.memory_space<vmem>>)
      tpu.yield
    }) : () -> ()
    %mul3A_31 = arith.constant 640 : i32
    %mul3A_32 = arith.muli %arg1, %mul3A_31 : i32
    "tpu.region"() ({
      %run_scoped3A_33 = tpu.sem_alloc : memref<!tpu.dma_semaphore, #tpu.memory_space<semaphore_mem>>
      %dma_start3A_34 = arith.constant 0 : i32
      %dma_start3A_35 = tpu.memref_slice %arg4[%arg0, %mul3A_32, %dma_start3A_34] : memref<2x10240x64xbf16, #tpu.memory_space<hbm>> -> memref<1x640x64xbf16, #tpu.memory_space<hbm>>
      %dma_start3A_36 = tpu.memref_squeeze %dma_start3A_35 : memref<1x640x64xbf16, #tpu.memory_space<hbm>> -> memref<640x64xbf16, #tpu.memory_space<hbm>>
      %dma_start3A_37 = arith.constant 0 : i32
      %dma_start3A_38 = tpu.memref_slice %arg4[%arg0, %mul3A_32, %dma_start3A_37] : memref<2x10240x64xbf16, #tpu.memory_space<hbm>> -> memref<1x640x64xbf16, #tpu.memory_space<hbm>>
      %dma_start3A_39 = tpu.memref_squeeze %dma_start3A_38 : memref<1x640x64xbf16, #tpu.memory_space<hbm>> -> memref<640x64xbf16, #tpu.memory_space<hbm>>
      tpu.enqueue_dma source(%arg9 : memref<640x64xbf16, #tpu.memory_space<vmem>>) target(%dma_start3A_39 : memref<640x64xbf16, #tpu.memory_space<hbm>>) target_semaphore(%run_scoped3A_33 : memref<!tpu.dma_semaphore, #tpu.memory_space<semaphore_mem>>)
      %dma_wait3A = arith.constant 0 : i32
      %dma_wait3A_40 = tpu.memref_slice %arg4[%arg0, %mul3A_32, %dma_wait3A] : memref<2x10240x64xbf16, #tpu.memory_space<hbm>> -> memref<1x640x64xbf16, #tpu.memory_space<hbm>>
      %dma_wait3A_41 = tpu.memref_squeeze %dma_wait3A_40 : memref<1x640x64xbf16, #tpu.memory_space<hbm>> -> memref<640x64xbf16, #tpu.memory_space<hbm>>
      %dma_wait3A_42 = arith.constant 0 : i32
      %dma_wait3A_43 = tpu.memref_slice %arg4[%arg0, %mul3A_32, %dma_wait3A_42] : memref<2x10240x64xbf16, #tpu.memory_space<hbm>> -> memref<1x640x64xbf16, #tpu.memory_space<hbm>>
      %dma_wait3A_44 = tpu.memref_squeeze %dma_wait3A_43 : memref<1x640x64xbf16, #tpu.memory_space<hbm>> -> memref<640x64xbf16, #tpu.memory_space<hbm>>
      tpu.wait_dma2 semaphore(%run_scoped3A_33 : memref<!tpu.dma_semaphore, #tpu.memory_space<semaphore_mem>>) src(%arg9 : memref<640x64xbf16, #tpu.memory_space<vmem>>) dst(%dma_wait3A_44 : memref<640x64xbf16, #tpu.memory_space<hbm>>)
      tpu.yield
    }) : () -> ()
    return
  }
}

#map = affine_map<(d0, d1) -> (0, 0, 0)>
#map1 = affine_map<(d0, d1) -> (0, 0)>
module attributes {stable_mosaic.version = 14 : i64} {
  func.func @_deg_body(%arg0: i32, %arg1: i32, %arg2: memref<2x2500x128xi32, #tpu.memory_space<hbm>>, %arg3: memref<2x10240xf32, #tpu.memory_space<hbm>>, %arg4: memref<79x128xi32, #tpu.memory_space<vmem>>, %arg5: memref<128xf32, #tpu.memory_space<vmem>>, %arg6: memref<640xf32, #tpu.memory_space<vmem>>, %arg7: memref<10240xf32, #tpu.memory_space<vmem_shared>>, %arg8: memref<!tpu.dma_semaphore, #tpu.memory_space<semaphore_mem>>, %arg9: memref<!tpu.dma_semaphore, #tpu.memory_space<semaphore_mem>>) attributes {dimension_semantics = [#tpu.dimension_semantics<core_parallel>, #tpu.dimension_semantics<subcore_parallel>], iteration_bounds = array<i64: 2, 16>, scalar_prefetch = 0 : i64, scratch_operands = 6 : i64, tpu.core_type = #tpu.core_type<sc_vector_subcore>, window_params = [{transform_indices = #map}, {transform_indices = #map1}]} {
    %mul3A = arith.constant 16 : i32
    %mul3A_0 = arith.muli %arg0, %mul3A : i32
    %add3A = arith.addi %mul3A_0, %arg1 : i32
    %lt3A = arith.constant 4 : i32
    %lt3A_1 = arith.cmpi slt, %add3A, %lt3A : i32
    %jit3A = arith.constant 79 : i32
    %jit3A_2 = arith.constant 78 : i32
    %select_n3A = arith.select %lt3A_1, %jit3A, %jit3A_2 : i32
    %mul3A_3 = arith.constant 78 : i32
    %mul3A_4 = arith.muli %add3A, %mul3A_3 : i32
    %min3A = arith.constant 4 : i32
    %min3A_5 = arith.minsi %add3A, %min3A : i32
    %add3A_6 = arith.addi %mul3A_4, %min3A_5 : i32
    %min3A_7 = arith.constant 2421 : i32
    %min3A_8 = arith.minsi %add3A_6, %min3A_7 : i32
    %sub3A = arith.subi %add3A_6, %min3A_8 : i32
    %broadcast_in_dim3A = arith.constant 1.000000e+00 : f32
    %broadcast_in_dim3A_9 = vector.broadcast %broadcast_in_dim3A : f32 to vector<16xf32>
    %swap3A = arith.constant 0 : index
    %swap3A_10 = tpu.vector_load %arg5[%swap3A] {strides = array<i32>} : memref<128xf32, #tpu.memory_space<vmem>>, vector<16xf32>,
    %swap3A_11 = vector.shape_cast %swap3A_10 : vector<16xf32> to vector<16xf32>
    %swap3A_12 = vector.shape_cast %broadcast_in_dim3A_9 : vector<16xf32> to vector<16xf32>
    tpu.vector_store %arg5[%swap3A], %swap3A_12 {strides = array<i32>} : memref<128xf32, #tpu.memory_space<vmem>>, vector<16xf32>,
    %broadcast_in_dim3A_13 = arith.constant 1.000000e+00 : f32
    %broadcast_in_dim3A_14 = vector.broadcast %broadcast_in_dim3A_13 : f32 to vector<16xf32>
    %swap3A_15 = arith.constant 16 : index
    %swap3A_16 = tpu.vector_load %arg5[%swap3A_15] {strides = array<i32>} : memref<128xf32, #tpu.memory_space<vmem>>, vector<16xf32>,
    %swap3A_17 = vector.shape_cast %swap3A_16 : vector<16xf32> to vector<16xf32>
    %swap3A_18 = vector.shape_cast %broadcast_in_dim3A_14 : vector<16xf32> to vector<16xf32>
    tpu.vector_store %arg5[%swap3A_15], %swap3A_18 {strides = array<i32>} : memref<128xf32, #tpu.memory_space<vmem>>, vector<16xf32>,
    %broadcast_in_dim3A_19 = arith.constant 1.000000e+00 : f32
    %broadcast_in_dim3A_20 = vector.broadcast %broadcast_in_dim3A_19 : f32 to vector<16xf32>
    %swap3A_21 = arith.constant 32 : index
    %swap3A_22 = tpu.vector_load %arg5[%swap3A_21] {strides = array<i32>} : memref<128xf32, #tpu.memory_space<vmem>>, vector<16xf32>,
    %swap3A_23 = vector.shape_cast %swap3A_22 : vector<16xf32> to vector<16xf32>
    %swap3A_24 = vector.shape_cast %broadcast_in_dim3A_20 : vector<16xf32> to vector<16xf32>
    tpu.vector_store %arg5[%swap3A_21], %swap3A_24 {strides = array<i32>} : memref<128xf32, #tpu.memory_space<vmem>>, vector<16xf32>,
    %broadcast_in_dim3A_25 = arith.constant 1.000000e+00 : f32
    %broadcast_in_dim3A_26 = vector.broadcast %broadcast_in_dim3A_25 : f32 to vector<16xf32>
    %swap3A_27 = arith.constant 48 : index
    %swap3A_28 = tpu.vector_load %arg5[%swap3A_27] {strides = array<i32>} : memref<128xf32, #tpu.memory_space<vmem>>, vector<16xf32>,
    %swap3A_29 = vector.shape_cast %swap3A_28 : vector<16xf32> to vector<16xf32>
    %swap3A_30 = vector.shape_cast %broadcast_in_dim3A_26 : vector<16xf32> to vector<16xf32>
    tpu.vector_store %arg5[%swap3A_27], %swap3A_30 {strides = array<i32>} : memref<128xf32, #tpu.memory_space<vmem>>, vector<16xf32>,
    %broadcast_in_dim3A_31 = arith.constant 1.000000e+00 : f32
    %broadcast_in_dim3A_32 = vector.broadcast %broadcast_in_dim3A_31 : f32 to vector<16xf32>
    %swap3A_33 = arith.constant 64 : index
    %swap3A_34 = tpu.vector_load %arg5[%swap3A_33] {strides = array<i32>} : memref<128xf32, #tpu.memory_space<vmem>>, vector<16xf32>,
    %swap3A_35 = vector.shape_cast %swap3A_34 : vector<16xf32> to vector<16xf32>
    %swap3A_36 = vector.shape_cast %broadcast_in_dim3A_32 : vector<16xf32> to vector<16xf32>
    tpu.vector_store %arg5[%swap3A_33], %swap3A_36 {strides = array<i32>} : memref<128xf32, #tpu.memory_space<vmem>>, vector<16xf32>,
    %broadcast_in_dim3A_37 = arith.constant 1.000000e+00 : f32
    %broadcast_in_dim3A_38 = vector.broadcast %broadcast_in_dim3A_37 : f32 to vector<16xf32>
    %swap3A_39 = arith.constant 80 : index
    %swap3A_40 = tpu.vector_load %arg5[%swap3A_39] {strides = array<i32>} : memref<128xf32, #tpu.memory_space<vmem>>, vector<16xf32>,
    %swap3A_41 = vector.shape_cast %swap3A_40 : vector<16xf32> to vector<16xf32>
    %swap3A_42 = vector.shape_cast %broadcast_in_dim3A_38 : vector<16xf32> to vector<16xf32>
    tpu.vector_store %arg5[%swap3A_39], %swap3A_42 {strides = array<i32>} : memref<128xf32, #tpu.memory_space<vmem>>, vector<16xf32>,
    %broadcast_in_dim3A_43 = arith.constant 1.000000e+00 : f32
    %broadcast_in_dim3A_44 = vector.broadcast %broadcast_in_dim3A_43 : f32 to vector<16xf32>
    %swap3A_45 = arith.constant 96 : index
    %swap3A_46 = tpu.vector_load %arg5[%swap3A_45] {strides = array<i32>} : memref<128xf32, #tpu.memory_space<vmem>>, vector<16xf32>,
    %swap3A_47 = vector.shape_cast %swap3A_46 : vector<16xf32> to vector<16xf32>
    %swap3A_48 = vector.shape_cast %broadcast_in_dim3A_44 : vector<16xf32> to vector<16xf32>
    tpu.vector_store %arg5[%swap3A_45], %swap3A_48 {strides = array<i32>} : memref<128xf32, #tpu.memory_space<vmem>>, vector<16xf32>,
    %broadcast_in_dim3A_49 = arith.constant 1.000000e+00 : f32
    %broadcast_in_dim3A_50 = vector.broadcast %broadcast_in_dim3A_49 : f32 to vector<16xf32>
    %swap3A_51 = arith.constant 112 : index
    %swap3A_52 = tpu.vector_load %arg5[%swap3A_51] {strides = array<i32>} : memref<128xf32, #tpu.memory_space<vmem>>, vector<16xf32>,
    %swap3A_53 = vector.shape_cast %swap3A_52 : vector<16xf32> to vector<16xf32>
    %swap3A_54 = vector.shape_cast %broadcast_in_dim3A_50 : vector<16xf32> to vector<16xf32>
    tpu.vector_store %arg5[%swap3A_51], %swap3A_54 {strides = array<i32>} : memref<128xf32, #tpu.memory_space<vmem>>, vector<16xf32>,
    %broadcast_in_dim3A_55 = arith.constant 0.000000e+00 : f32
    %broadcast_in_dim3A_56 = vector.broadcast %broadcast_in_dim3A_55 : f32 to vector<16xf32>
    %swap3A_57 = arith.constant 0 : index
    %swap3A_58 = tpu.vector_load %arg6[%swap3A_57] {strides = array<i32>} : memref<640xf32, #tpu.memory_space<vmem>>, vector<16xf32>,
    %swap3A_59 = vector.shape_cast %swap3A_58 : vector<16xf32> to vector<16xf32>
    %swap3A_60 = vector.shape_cast %broadcast_in_dim3A_56 : vector<16xf32> to vector<16xf32>
    tpu.vector_store %arg6[%swap3A_57], %swap3A_60 {strides = array<i32>} : memref<640xf32, #tpu.memory_space<vmem>>, vector<16xf32>,
    %broadcast_in_dim3A_61 = arith.constant 0.000000e+00 : f32
    %broadcast_in_dim3A_62 = vector.broadcast %broadcast_in_dim3A_61 : f32 to vector<16xf32>
    %swap3A_63 = arith.constant 16 : index
    %swap3A_64 = tpu.vector_load %arg6[%swap3A_63] {strides = array<i32>} : memref<640xf32, #tpu.memory_space<vmem>>, vector<16xf32>,
    %swap3A_65 = vector.shape_cast %swap3A_64 : vector<16xf32> to vector<16xf32>
    %swap3A_66 = vector.shape_cast %broadcast_in_dim3A_62 : vector<16xf32> to vector<16xf32>
    tpu.vector_store %arg6[%swap3A_63], %swap3A_66 {strides = array<i32>} : memref<640xf32, #tpu.memory_space<vmem>>, vector<16xf32>,
    %broadcast_in_dim3A_67 = arith.constant 0.000000e+00 : f32
    %broadcast_in_dim3A_68 = vector.broadcast %broadcast_in_dim3A_67 : f32 to vector<16xf32>
    %swap3A_69 = arith.constant 32 : index
    %swap3A_70 = tpu.vector_load %arg6[%swap3A_69] {strides = array<i32>} : memref<640xf32, #tpu.memory_space<vmem>>, vector<16xf32>,
    %swap3A_71 = vector.shape_cast %swap3A_70 : vector<16xf32> to vector<16xf32>
    %swap3A_72 = vector.shape_cast %broadcast_in_dim3A_68 : vector<16xf32> to vector<16xf32>
    tpu.vector_store %arg6[%swap3A_69], %swap3A_72 {strides = array<i32>} : memref<640xf32, #tpu.memory_space<vmem>>, vector<16xf32>,
    %broadcast_in_dim3A_73 = arith.constant 0.000000e+00 : f32
    %broadcast_in_dim3A_74 = vector.broadcast %broadcast_in_dim3A_73 : f32 to vector<16xf32>
    %swap3A_75 = arith.constant 48 : index
    %swap3A_76 = tpu.vector_load %arg6[%swap3A_75] {strides = array<i32>} : memref<640xf32, #tpu.memory_space<vmem>>, vector<16xf32>,
    %swap3A_77 = vector.shape_cast %swap3A_76 : vector<16xf32> to vector<16xf32>
    %swap3A_78 = vector.shape_cast %broadcast_in_dim3A_74 : vector<16xf32> to vector<16xf32>
    tpu.vector_store %arg6[%swap3A_75], %swap3A_78 {strides = array<i32>} : memref<640xf32, #tpu.memory_space<vmem>>, vector<16xf32>,
    %broadcast_in_dim3A_79 = arith.constant 0.000000e+00 : f32
    %broadcast_in_dim3A_80 = vector.broadcast %broadcast_in_dim3A_79 : f32 to vector<16xf32>
    %swap3A_81 = arith.constant 64 : index
    %swap3A_82 = tpu.vector_load %arg6[%swap3A_81] {strides = array<i32>} : memref<640xf32, #tpu.memory_space<vmem>>, vector<16xf32>,
    %swap3A_83 = vector.shape_cast %swap3A_82 : vector<16xf32> to vector<16xf32>
    %swap3A_84 = vector.shape_cast %broadcast_in_dim3A_80 : vector<16xf32> to vector<16xf32>
    tpu.vector_store %arg6[%swap3A_81], %swap3A_84 {strides = array<i32>} : memref<640xf32, #tpu.memory_space<vmem>>, vector<16xf32>,
    %broadcast_in_dim3A_85 = arith.constant 0.000000e+00 : f32
    %broadcast_in_dim3A_86 = vector.broadcast %broadcast_in_dim3A_85 : f32 to vector<16xf32>
    %swap3A_87 = arith.constant 80 : index
    %swap3A_88 = tpu.vector_load %arg6[%swap3A_87] {strides = array<i32>} : memref<640xf32, #tpu.memory_space<vmem>>, vector<16xf32>,
    %swap3A_89 = vector.shape_cast %swap3A_88 : vector<16xf32> to vector<16xf32>
    %swap3A_90 = vector.shape_cast %broadcast_in_dim3A_86 : vector<16xf32> to vector<16xf32>
    tpu.vector_store %arg6[%swap3A_87], %swap3A_90 {strides = array<i32>} : memref<640xf32, #tpu.memory_space<vmem>>, vector<16xf32>,
    %broadcast_in_dim3A_91 = arith.constant 0.000000e+00 : f32
    %broadcast_in_dim3A_92 = vector.broadcast %broadcast_in_dim3A_91 : f32 to vector<16xf32>
    %swap3A_93 = arith.constant 96 : index
    %swap3A_94 = tpu.vector_load %arg6[%swap3A_93] {strides = array<i32>} : memref<640xf32, #tpu.memory_space<vmem>>, vector<16xf32>,
    %swap3A_95 = vector.shape_cast %swap3A_94 : vector<16xf32> to vector<16xf32>
    %swap3A_96 = vector.shape_cast %broadcast_in_dim3A_92 : vector<16xf32> to vector<16xf32>
    tpu.vector_store %arg6[%swap3A_93], %swap3A_96 {strides = array<i32>} : memref<640xf32, #tpu.memory_space<vmem>>, vector<16xf32>,
    %broadcast_in_dim3A_97 = arith.constant 0.000000e+00 : f32
    %broadcast_in_dim3A_98 = vector.broadcast %broadcast_in_dim3A_97 : f32 to vector<16xf32>
    %swap3A_99 = arith.constant 112 : index
    %swap3A_100 = tpu.vector_load %arg6[%swap3A_99] {strides = array<i32>} : memref<640xf32, #tpu.memory_space<vmem>>, vector<16xf32>,
    %swap3A_101 = vector.shape_cast %swap3A_100 : vector<16xf32> to vector<16xf32>
    %swap3A_102 = vector.shape_cast %broadcast_in_dim3A_98 : vector<16xf32> to vector<16xf32>
    tpu.vector_store %arg6[%swap3A_99], %swap3A_102 {strides = array<i32>} : memref<640xf32, #tpu.memory_space<vmem>>, vector<16xf32>,
    %broadcast_in_dim3A_103 = arith.constant 0.000000e+00 : f32
    %broadcast_in_dim3A_104 = vector.broadcast %broadcast_in_dim3A_103 : f32 to vector<16xf32>
    %swap3A_105 = arith.constant 128 : index
    %swap3A_106 = tpu.vector_load %arg6[%swap3A_105] {strides = array<i32>} : memref<640xf32, #tpu.memory_space<vmem>>, vector<16xf32>,
    %swap3A_107 = vector.shape_cast %swap3A_106 : vector<16xf32> to vector<16xf32>
    %swap3A_108 = vector.shape_cast %broadcast_in_dim3A_104 : vector<16xf32> to vector<16xf32>
    tpu.vector_store %arg6[%swap3A_105], %swap3A_108 {strides = array<i32>} : memref<640xf32, #tpu.memory_space<vmem>>, vector<16xf32>,
    %broadcast_in_dim3A_109 = arith.constant 0.000000e+00 : f32
    %broadcast_in_dim3A_110 = vector.broadcast %broadcast_in_dim3A_109 : f32 to vector<16xf32>
    %swap3A_111 = arith.constant 144 : index
    %swap3A_112 = tpu.vector_load %arg6[%swap3A_111] {strides = array<i32>} : memref<640xf32, #tpu.memory_space<vmem>>, vector<16xf32>,
    %swap3A_113 = vector.shape_cast %swap3A_112 : vector<16xf32> to vector<16xf32>
    %swap3A_114 = vector.shape_cast %broadcast_in_dim3A_110 : vector<16xf32> to vector<16xf32>
    tpu.vector_store %arg6[%swap3A_111], %swap3A_114 {strides = array<i32>} : memref<640xf32, #tpu.memory_space<vmem>>, vector<16xf32>,
    %broadcast_in_dim3A_115 = arith.constant 0.000000e+00 : f32
    %broadcast_in_dim3A_116 = vector.broadcast %broadcast_in_dim3A_115 : f32 to vector<16xf32>
    %swap3A_117 = arith.constant 160 : index
    %swap3A_118 = tpu.vector_load %arg6[%swap3A_117] {strides = array<i32>} : memref<640xf32, #tpu.memory_space<vmem>>, vector<16xf32>,
    %swap3A_119 = vector.shape_cast %swap3A_118 : vector<16xf32> to vector<16xf32>
    %swap3A_120 = vector.shape_cast %broadcast_in_dim3A_116 : vector<16xf32> to vector<16xf32>
    tpu.vector_store %arg6[%swap3A_117], %swap3A_120 {strides = array<i32>} : memref<640xf32, #tpu.memory_space<vmem>>, vector<16xf32>,
    %broadcast_in_dim3A_121 = arith.constant 0.000000e+00 : f32
    %broadcast_in_dim3A_122 = vector.broadcast %broadcast_in_dim3A_121 : f32 to vector<16xf32>
    %swap3A_123 = arith.constant 176 : index
    %swap3A_124 = tpu.vector_load %arg6[%swap3A_123] {strides = array<i32>} : memref<640xf32, #tpu.memory_space<vmem>>, vector<16xf32>,
    %swap3A_125 = vector.shape_cast %swap3A_124 : vector<16xf32> to vector<16xf32>
    %swap3A_126 = vector.shape_cast %broadcast_in_dim3A_122 : vector<16xf32> to vector<16xf32>
    tpu.vector_store %arg6[%swap3A_123], %swap3A_126 {strides = array<i32>} : memref<640xf32, #tpu.memory_space<vmem>>, vector<16xf32>,
    %broadcast_in_dim3A_127 = arith.constant 0.000000e+00 : f32
    %broadcast_in_dim3A_128 = vector.broadcast %broadcast_in_dim3A_127 : f32 to vector<16xf32>
    %swap3A_129 = arith.constant 192 : index
    %swap3A_130 = tpu.vector_load %arg6[%swap3A_129] {strides = array<i32>} : memref<640xf32, #tpu.memory_space<vmem>>, vector<16xf32>,
    %swap3A_131 = vector.shape_cast %swap3A_130 : vector<16xf32> to vector<16xf32>
    %swap3A_132 = vector.shape_cast %broadcast_in_dim3A_128 : vector<16xf32> to vector<16xf32>
    tpu.vector_store %arg6[%swap3A_129], %swap3A_132 {strides = array<i32>} : memref<640xf32, #tpu.memory_space<vmem>>, vector<16xf32>,
    %broadcast_in_dim3A_133 = arith.constant 0.000000e+00 : f32
    %broadcast_in_dim3A_134 = vector.broadcast %broadcast_in_dim3A_133 : f32 to vector<16xf32>
    %swap3A_135 = arith.constant 208 : index
    %swap3A_136 = tpu.vector_load %arg6[%swap3A_135] {strides = array<i32>} : memref<640xf32, #tpu.memory_space<vmem>>, vector<16xf32>,
    %swap3A_137 = vector.shape_cast %swap3A_136 : vector<16xf32> to vector<16xf32>
    %swap3A_138 = vector.shape_cast %broadcast_in_dim3A_134 : vector<16xf32> to vector<16xf32>
    tpu.vector_store %arg6[%swap3A_135], %swap3A_138 {strides = array<i32>} : memref<640xf32, #tpu.memory_space<vmem>>, vector<16xf32>,
    %broadcast_in_dim3A_139 = arith.constant 0.000000e+00 : f32
    %broadcast_in_dim3A_140 = vector.broadcast %broadcast_in_dim3A_139 : f32 to vector<16xf32>
    %swap3A_141 = arith.constant 224 : index
    %swap3A_142 = tpu.vector_load %arg6[%swap3A_141] {strides = array<i32>} : memref<640xf32, #tpu.memory_space<vmem>>, vector<16xf32>,
    %swap3A_143 = vector.shape_cast %swap3A_142 : vector<16xf32> to vector<16xf32>
    %swap3A_144 = vector.shape_cast %broadcast_in_dim3A_140 : vector<16xf32> to vector<16xf32>
    tpu.vector_store %arg6[%swap3A_141], %swap3A_144 {strides = array<i32>} : memref<640xf32, #tpu.memory_space<vmem>>, vector<16xf32>,
    %broadcast_in_dim3A_145 = arith.constant 0.000000e+00 : f32
    %broadcast_in_dim3A_146 = vector.broadcast %broadcast_in_dim3A_145 : f32 to vector<16xf32>
    %swap3A_147 = arith.constant 240 : index
    %swap3A_148 = tpu.vector_load %arg6[%swap3A_147] {strides = array<i32>} : memref<640xf32, #tpu.memory_space<vmem>>, vector<16xf32>,
    %swap3A_149 = vector.shape_cast %swap3A_148 : vector<16xf32> to vector<16xf32>
    %swap3A_150 = vector.shape_cast %broadcast_in_dim3A_146 : vector<16xf32> to vector<16xf32>
    tpu.vector_store %arg6[%swap3A_147], %swap3A_150 {strides = array<i32>} : memref<640xf32, #tpu.memory_space<vmem>>, vector<16xf32>,
    %broadcast_in_dim3A_151 = arith.constant 0.000000e+00 : f32
    %broadcast_in_dim3A_152 = vector.broadcast %broadcast_in_dim3A_151 : f32 to vector<16xf32>
    %swap3A_153 = arith.constant 256 : index
    %swap3A_154 = tpu.vector_load %arg6[%swap3A_153] {strides = array<i32>} : memref<640xf32, #tpu.memory_space<vmem>>, vector<16xf32>,
    %swap3A_155 = vector.shape_cast %swap3A_154 : vector<16xf32> to vector<16xf32>
    %swap3A_156 = vector.shape_cast %broadcast_in_dim3A_152 : vector<16xf32> to vector<16xf32>
    tpu.vector_store %arg6[%swap3A_153], %swap3A_156 {strides = array<i32>} : memref<640xf32, #tpu.memory_space<vmem>>, vector<16xf32>,
    %broadcast_in_dim3A_157 = arith.constant 0.000000e+00 : f32
    %broadcast_in_dim3A_158 = vector.broadcast %broadcast_in_dim3A_157 : f32 to vector<16xf32>
    %swap3A_159 = arith.constant 272 : index
    %swap3A_160 = tpu.vector_load %arg6[%swap3A_159] {strides = array<i32>} : memref<640xf32, #tpu.memory_space<vmem>>, vector<16xf32>,
    %swap3A_161 = vector.shape_cast %swap3A_160 : vector<16xf32> to vector<16xf32>
    %swap3A_162 = vector.shape_cast %broadcast_in_dim3A_158 : vector<16xf32> to vector<16xf32>
    tpu.vector_store %arg6[%swap3A_159], %swap3A_162 {strides = array<i32>} : memref<640xf32, #tpu.memory_space<vmem>>, vector<16xf32>,
    %broadcast_in_dim3A_163 = arith.constant 0.000000e+00 : f32
    %broadcast_in_dim3A_164 = vector.broadcast %broadcast_in_dim3A_163 : f32 to vector<16xf32>
    %swap3A_165 = arith.constant 288 : index
    %swap3A_166 = tpu.vector_load %arg6[%swap3A_165] {strides = array<i32>} : memref<640xf32, #tpu.memory_space<vmem>>, vector<16xf32>,
    %swap3A_167 = vector.shape_cast %swap3A_166 : vector<16xf32> to vector<16xf32>
    %swap3A_168 = vector.shape_cast %broadcast_in_dim3A_164 : vector<16xf32> to vector<16xf32>
    tpu.vector_store %arg6[%swap3A_165], %swap3A_168 {strides = array<i32>} : memref<640xf32, #tpu.memory_space<vmem>>, vector<16xf32>,
    %broadcast_in_dim3A_169 = arith.constant 0.000000e+00 : f32
    %broadcast_in_dim3A_170 = vector.broadcast %broadcast_in_dim3A_169 : f32 to vector<16xf32>
    %swap3A_171 = arith.constant 304 : index
    %swap3A_172 = tpu.vector_load %arg6[%swap3A_171] {strides = array<i32>} : memref<640xf32, #tpu.memory_space<vmem>>, vector<16xf32>,
    %swap3A_173 = vector.shape_cast %swap3A_172 : vector<16xf32> to vector<16xf32>
    %swap3A_174 = vector.shape_cast %broadcast_in_dim3A_170 : vector<16xf32> to vector<16xf32>
    tpu.vector_store %arg6[%swap3A_171], %swap3A_174 {strides = array<i32>} : memref<640xf32, #tpu.memory_space<vmem>>, vector<16xf32>,
    %broadcast_in_dim3A_175 = arith.constant 0.000000e+00 : f32
    %broadcast_in_dim3A_176 = vector.broadcast %broadcast_in_dim3A_175 : f32 to vector<16xf32>
    %swap3A_177 = arith.constant 320 : index
    %swap3A_178 = tpu.vector_load %arg6[%swap3A_177] {strides = array<i32>} : memref<640xf32, #tpu.memory_space<vmem>>, vector<16xf32>,
    %swap3A_179 = vector.shape_cast %swap3A_178 : vector<16xf32> to vector<16xf32>
    %swap3A_180 = vector.shape_cast %broadcast_in_dim3A_176 : vector<16xf32> to vector<16xf32>
    tpu.vector_store %arg6[%swap3A_177], %swap3A_180 {strides = array<i32>} : memref<640xf32, #tpu.memory_space<vmem>>, vector<16xf32>,
    %broadcast_in_dim3A_181 = arith.constant 0.000000e+00 : f32
    %broadcast_in_dim3A_182 = vector.broadcast %broadcast_in_dim3A_181 : f32 to vector<16xf32>
    %swap3A_183 = arith.constant 336 : index
    %swap3A_184 = tpu.vector_load %arg6[%swap3A_183] {strides = array<i32>} : memref<640xf32, #tpu.memory_space<vmem>>, vector<16xf32>,
    %swap3A_185 = vector.shape_cast %swap3A_184 : vector<16xf32> to vector<16xf32>
    %swap3A_186 = vector.shape_cast %broadcast_in_dim3A_182 : vector<16xf32> to vector<16xf32>
    tpu.vector_store %arg6[%swap3A_183], %swap3A_186 {strides = array<i32>} : memref<640xf32, #tpu.memory_space<vmem>>, vector<16xf32>,
    %broadcast_in_dim3A_187 = arith.constant 0.000000e+00 : f32
    %broadcast_in_dim3A_188 = vector.broadcast %broadcast_in_dim3A_187 : f32 to vector<16xf32>
    %swap3A_189 = arith.constant 352 : index
    %swap3A_190 = tpu.vector_load %arg6[%swap3A_189] {strides = array<i32>} : memref<640xf32, #tpu.memory_space<vmem>>, vector<16xf32>,
    %swap3A_191 = vector.shape_cast %swap3A_190 : vector<16xf32> to vector<16xf32>
    %swap3A_192 = vector.shape_cast %broadcast_in_dim3A_188 : vector<16xf32> to vector<16xf32>
    tpu.vector_store %arg6[%swap3A_189], %swap3A_192 {strides = array<i32>} : memref<640xf32, #tpu.memory_space<vmem>>, vector<16xf32>,
    %broadcast_in_dim3A_193 = arith.constant 0.000000e+00 : f32
    %broadcast_in_dim3A_194 = vector.broadcast %broadcast_in_dim3A_193 : f32 to vector<16xf32>
    %swap3A_195 = arith.constant 368 : index
    %swap3A_196 = tpu.vector_load %arg6[%swap3A_195] {strides = array<i32>} : memref<640xf32, #tpu.memory_space<vmem>>, vector<16xf32>,
    %swap3A_197 = vector.shape_cast %swap3A_196 : vector<16xf32> to vector<16xf32>
    %swap3A_198 = vector.shape_cast %broadcast_in_dim3A_194 : vector<16xf32> to vector<16xf32>
    tpu.vector_store %arg6[%swap3A_195], %swap3A_198 {strides = array<i32>} : memref<640xf32, #tpu.memory_space<vmem>>, vector<16xf32>,
    %broadcast_in_dim3A_199 = arith.constant 0.000000e+00 : f32
    %broadcast_in_dim3A_200 = vector.broadcast %broadcast_in_dim3A_199 : f32 to vector<16xf32>
    %swap3A_201 = arith.constant 384 : index
    %swap3A_202 = tpu.vector_load %arg6[%swap3A_201] {strides = array<i32>} : memref<640xf32, #tpu.memory_space<vmem>>, vector<16xf32>,
    %swap3A_203 = vector.shape_cast %swap3A_202 : vector<16xf32> to vector<16xf32>
    %swap3A_204 = vector.shape_cast %broadcast_in_dim3A_200 : vector<16xf32> to vector<16xf32>
    tpu.vector_store %arg6[%swap3A_201], %swap3A_204 {strides = array<i32>} : memref<640xf32, #tpu.memory_space<vmem>>, vector<16xf32>,
    %broadcast_in_dim3A_205 = arith.constant 0.000000e+00 : f32
    %broadcast_in_dim3A_206 = vector.broadcast %broadcast_in_dim3A_205 : f32 to vector<16xf32>
    %swap3A_207 = arith.constant 400 : index
    %swap3A_208 = tpu.vector_load %arg6[%swap3A_207] {strides = array<i32>} : memref<640xf32, #tpu.memory_space<vmem>>, vector<16xf32>,
    %swap3A_209 = vector.shape_cast %swap3A_208 : vector<16xf32> to vector<16xf32>
    %swap3A_210 = vector.shape_cast %broadcast_in_dim3A_206 : vector<16xf32> to vector<16xf32>
    tpu.vector_store %arg6[%swap3A_207], %swap3A_210 {strides = array<i32>} : memref<640xf32, #tpu.memory_space<vmem>>, vector<16xf32>,
    %broadcast_in_dim3A_211 = arith.constant 0.000000e+00 : f32
    %broadcast_in_dim3A_212 = vector.broadcast %broadcast_in_dim3A_211 : f32 to vector<16xf32>
    %swap3A_213 = arith.constant 416 : index
    %swap3A_214 = tpu.vector_load %arg6[%swap3A_213] {strides = array<i32>} : memref<640xf32, #tpu.memory_space<vmem>>, vector<16xf32>,
    %swap3A_215 = vector.shape_cast %swap3A_214 : vector<16xf32> to vector<16xf32>
    %swap3A_216 = vector.shape_cast %broadcast_in_dim3A_212 : vector<16xf32> to vector<16xf32>
    tpu.vector_store %arg6[%swap3A_213], %swap3A_216 {strides = array<i32>} : memref<640xf32, #tpu.memory_space<vmem>>, vector<16xf32>,
    %broadcast_in_dim3A_217 = arith.constant 0.000000e+00 : f32
    %broadcast_in_dim3A_218 = vector.broadcast %broadcast_in_dim3A_217 : f32 to vector<16xf32>
    %swap3A_219 = arith.constant 432 : index
    %swap3A_220 = tpu.vector_load %arg6[%swap3A_219] {strides = array<i32>} : memref<640xf32, #tpu.memory_space<vmem>>, vector<16xf32>,
    %swap3A_221 = vector.shape_cast %swap3A_220 : vector<16xf32> to vector<16xf32>
    %swap3A_222 = vector.shape_cast %broadcast_in_dim3A_218 : vector<16xf32> to vector<16xf32>
    tpu.vector_store %arg6[%swap3A_219], %swap3A_222 {strides = array<i32>} : memref<640xf32, #tpu.memory_space<vmem>>, vector<16xf32>,
    %broadcast_in_dim3A_223 = arith.constant 0.000000e+00 : f32
    %broadcast_in_dim3A_224 = vector.broadcast %broadcast_in_dim3A_223 : f32 to vector<16xf32>
    %swap3A_225 = arith.constant 448 : index
    %swap3A_226 = tpu.vector_load %arg6[%swap3A_225] {strides = array<i32>} : memref<640xf32, #tpu.memory_space<vmem>>, vector<16xf32>,
    %swap3A_227 = vector.shape_cast %swap3A_226 : vector<16xf32> to vector<16xf32>
    %swap3A_228 = vector.shape_cast %broadcast_in_dim3A_224 : vector<16xf32> to vector<16xf32>
    tpu.vector_store %arg6[%swap3A_225], %swap3A_228 {strides = array<i32>} : memref<640xf32, #tpu.memory_space<vmem>>, vector<16xf32>,
    %broadcast_in_dim3A_229 = arith.constant 0.000000e+00 : f32
    %broadcast_in_dim3A_230 = vector.broadcast %broadcast_in_dim3A_229 : f32 to vector<16xf32>
    %swap3A_231 = arith.constant 464 : index
    %swap3A_232 = tpu.vector_load %arg6[%swap3A_231] {strides = array<i32>} : memref<640xf32, #tpu.memory_space<vmem>>, vector<16xf32>,
    %swap3A_233 = vector.shape_cast %swap3A_232 : vector<16xf32> to vector<16xf32>
    %swap3A_234 = vector.shape_cast %broadcast_in_dim3A_230 : vector<16xf32> to vector<16xf32>
    tpu.vector_store %arg6[%swap3A_231], %swap3A_234 {strides = array<i32>} : memref<640xf32, #tpu.memory_space<vmem>>, vector<16xf32>,
    %broadcast_in_dim3A_235 = arith.constant 0.000000e+00 : f32
    %broadcast_in_dim3A_236 = vector.broadcast %broadcast_in_dim3A_235 : f32 to vector<16xf32>
    %swap3A_237 = arith.constant 480 : index
    %swap3A_238 = tpu.vector_load %arg6[%swap3A_237] {strides = array<i32>} : memref<640xf32, #tpu.memory_space<vmem>>, vector<16xf32>,
    %swap3A_239 = vector.shape_cast %swap3A_238 : vector<16xf32> to vector<16xf32>
    %swap3A_240 = vector.shape_cast %broadcast_in_dim3A_236 : vector<16xf32> to vector<16xf32>
    tpu.vector_store %arg6[%swap3A_237], %swap3A_240 {strides = array<i32>} : memref<640xf32, #tpu.memory_space<vmem>>, vector<16xf32>,
    %broadcast_in_dim3A_241 = arith.constant 0.000000e+00 : f32
    %broadcast_in_dim3A_242 = vector.broadcast %broadcast_in_dim3A_241 : f32 to vector<16xf32>
    %swap3A_243 = arith.constant 496 : index
    %swap3A_244 = tpu.vector_load %arg6[%swap3A_243] {strides = array<i32>} : memref<640xf32, #tpu.memory_space<vmem>>, vector<16xf32>,
    %swap3A_245 = vector.shape_cast %swap3A_244 : vector<16xf32> to vector<16xf32>
    %swap3A_246 = vector.shape_cast %broadcast_in_dim3A_242 : vector<16xf32> to vector<16xf32>
    tpu.vector_store %arg6[%swap3A_243], %swap3A_246 {strides = array<i32>} : memref<640xf32, #tpu.memory_space<vmem>>, vector<16xf32>,
    %broadcast_in_dim3A_247 = arith.constant 0.000000e+00 : f32
    %broadcast_in_dim3A_248 = vector.broadcast %broadcast_in_dim3A_247 : f32 to vector<16xf32>
    %swap3A_249 = arith.constant 512 : index
    %swap3A_250 = tpu.vector_load %arg6[%swap3A_249] {strides = array<i32>} : memref<640xf32, #tpu.memory_space<vmem>>, vector<16xf32>,
    %swap3A_251 = vector.shape_cast %swap3A_250 : vector<16xf32> to vector<16xf32>
    %swap3A_252 = vector.shape_cast %broadcast_in_dim3A_248 : vector<16xf32> to vector<16xf32>
    tpu.vector_store %arg6[%swap3A_249], %swap3A_252 {strides = array<i32>} : memref<640xf32, #tpu.memory_space<vmem>>, vector<16xf32>,
    %broadcast_in_dim3A_253 = arith.constant 0.000000e+00 : f32
    %broadcast_in_dim3A_254 = vector.broadcast %broadcast_in_dim3A_253 : f32 to vector<16xf32>
    %swap3A_255 = arith.constant 528 : index
    %swap3A_256 = tpu.vector_load %arg6[%swap3A_255] {strides = array<i32>} : memref<640xf32, #tpu.memory_space<vmem>>, vector<16xf32>,
    %swap3A_257 = vector.shape_cast %swap3A_256 : vector<16xf32> to vector<16xf32>
    %swap3A_258 = vector.shape_cast %broadcast_in_dim3A_254 : vector<16xf32> to vector<16xf32>
    tpu.vector_store %arg6[%swap3A_255], %swap3A_258 {strides = array<i32>} : memref<640xf32, #tpu.memory_space<vmem>>, vector<16xf32>,
    %broadcast_in_dim3A_259 = arith.constant 0.000000e+00 : f32
    %broadcast_in_dim3A_260 = vector.broadcast %broadcast_in_dim3A_259 : f32 to vector<16xf32>
    %swap3A_261 = arith.constant 544 : index
    %swap3A_262 = tpu.vector_load %arg6[%swap3A_261] {strides = array<i32>} : memref<640xf32, #tpu.memory_space<vmem>>, vector<16xf32>,
    %swap3A_263 = vector.shape_cast %swap3A_262 : vector<16xf32> to vector<16xf32>
    %swap3A_264 = vector.shape_cast %broadcast_in_dim3A_260 : vector<16xf32> to vector<16xf32>
    tpu.vector_store %arg6[%swap3A_261], %swap3A_264 {strides = array<i32>} : memref<640xf32, #tpu.memory_space<vmem>>, vector<16xf32>,
    %broadcast_in_dim3A_265 = arith.constant 0.000000e+00 : f32
    %broadcast_in_dim3A_266 = vector.broadcast %broadcast_in_dim3A_265 : f32 to vector<16xf32>
    %swap3A_267 = arith.constant 560 : index
    %swap3A_268 = tpu.vector_load %arg6[%swap3A_267] {strides = array<i32>} : memref<640xf32, #tpu.memory_space<vmem>>, vector<16xf32>,
    %swap3A_269 = vector.shape_cast %swap3A_268 : vector<16xf32> to vector<16xf32>
    %swap3A_270 = vector.shape_cast %broadcast_in_dim3A_266 : vector<16xf32> to vector<16xf32>
    tpu.vector_store %arg6[%swap3A_267], %swap3A_270 {strides = array<i32>} : memref<640xf32, #tpu.memory_space<vmem>>, vector<16xf32>,
    %broadcast_in_dim3A_271 = arith.constant 0.000000e+00 : f32
    %broadcast_in_dim3A_272 = vector.broadcast %broadcast_in_dim3A_271 : f32 to vector<16xf32>
    %swap3A_273 = arith.constant 576 : index
    %swap3A_274 = tpu.vector_load %arg6[%swap3A_273] {strides = array<i32>} : memref<640xf32, #tpu.memory_space<vmem>>, vector<16xf32>,
    %swap3A_275 = vector.shape_cast %swap3A_274 : vector<16xf32> to vector<16xf32>
    %swap3A_276 = vector.shape_cast %broadcast_in_dim3A_272 : vector<16xf32> to vector<16xf32>
    tpu.vector_store %arg6[%swap3A_273], %swap3A_276 {strides = array<i32>} : memref<640xf32, #tpu.memory_space<vmem>>, vector<16xf32>,
    %broadcast_in_dim3A_277 = arith.constant 0.000000e+00 : f32
    %broadcast_in_dim3A_278 = vector.broadcast %broadcast_in_dim3A_277 : f32 to vector<16xf32>
    %swap3A_279 = arith.constant 592 : index
    %swap3A_280 = tpu.vector_load %arg6[%swap3A_279] {strides = array<i32>} : memref<640xf32, #tpu.memory_space<vmem>>, vector<16xf32>,
    %swap3A_281 = vector.shape_cast %swap3A_280 : vector<16xf32> to vector<16xf32>
    %swap3A_282 = vector.shape_cast %broadcast_in_dim3A_278 : vector<16xf32> to vector<16xf32>
    tpu.vector_store %arg6[%swap3A_279], %swap3A_282 {strides = array<i32>} : memref<640xf32, #tpu.memory_space<vmem>>, vector<16xf32>,
    %broadcast_in_dim3A_283 = arith.constant 0.000000e+00 : f32
    %broadcast_in_dim3A_284 = vector.broadcast %broadcast_in_dim3A_283 : f32 to vector<16xf32>
    %swap3A_285 = arith.constant 608 : index
    %swap3A_286 = tpu.vector_load %arg6[%swap3A_285] {strides = array<i32>} : memref<640xf32, #tpu.memory_space<vmem>>, vector<16xf32>,
    %swap3A_287 = vector.shape_cast %swap3A_286 : vector<16xf32> to vector<16xf32>
    %swap3A_288 = vector.shape_cast %broadcast_in_dim3A_284 : vector<16xf32> to vector<16xf32>
    tpu.vector_store %arg6[%swap3A_285], %swap3A_288 {strides = array<i32>} : memref<640xf32, #tpu.memory_space<vmem>>, vector<16xf32>,
    %broadcast_in_dim3A_289 = arith.constant 0.000000e+00 : f32
    %broadcast_in_dim3A_290 = vector.broadcast %broadcast_in_dim3A_289 : f32 to vector<16xf32>
    %swap3A_291 = arith.constant 624 : index
    %swap3A_292 = tpu.vector_load %arg6[%swap3A_291] {strides = array<i32>} : memref<640xf32, #tpu.memory_space<vmem>>, vector<16xf32>,
    %swap3A_293 = vector.shape_cast %swap3A_292 : vector<16xf32> to vector<16xf32>
    %swap3A_294 = vector.shape_cast %broadcast_in_dim3A_290 : vector<16xf32> to vector<16xf32>
    tpu.vector_store %arg6[%swap3A_291], %swap3A_294 {strides = array<i32>} : memref<640xf32, #tpu.memory_space<vmem>>, vector<16xf32>,
    %mul3A_295 = arith.constant 640 : i32
    %mul3A_296 = arith.muli %arg1, %mul3A_295 : i32
    "tpu.region"() ({
      %run_scoped3A_316 = tpu.sem_alloc : memref<!tpu.dma_semaphore, #tpu.memory_space<semaphore_mem>>
      %dma_start3A = tpu.memref_slice %arg7[%mul3A_296] : memref<10240xf32, #tpu.memory_space<vmem_shared>> -> memref<640xf32, #tpu.memory_space<vmem_shared>>
      %dma_start3A_317 = tpu.memref_slice %arg7[%mul3A_296] : memref<10240xf32, #tpu.memory_space<vmem_shared>> -> memref<640xf32, #tpu.memory_space<vmem_shared>>
      tpu.enqueue_dma source(%arg6 : memref<640xf32, #tpu.memory_space<vmem>>) target(%dma_start3A_317 : memref<640xf32, #tpu.memory_space<vmem_shared>>) target_semaphore(%run_scoped3A_316 : memref<!tpu.dma_semaphore, #tpu.memory_space<semaphore_mem>>)
      %dma_wait3A_318 = tpu.memref_slice %arg7[%mul3A_296] : memref<10240xf32, #tpu.memory_space<vmem_shared>> -> memref<640xf32, #tpu.memory_space<vmem_shared>>
      %dma_wait3A_319 = tpu.memref_slice %arg7[%mul3A_296] : memref<10240xf32, #tpu.memory_space<vmem_shared>> -> memref<640xf32, #tpu.memory_space<vmem_shared>>
      tpu.wait_dma2 semaphore(%run_scoped3A_316 : memref<!tpu.dma_semaphore, #tpu.memory_space<semaphore_mem>>) src(%arg6 : memref<640xf32, #tpu.memory_space<vmem>>) dst(%dma_wait3A_319 : memref<640xf32, #tpu.memory_space<vmem_shared>>)
      tpu.yield
    }) : () -> ()
    %run_scoped3A = arith.constant 1 : i32
    "tpu.region"() ({
      %run_scoped3A_316 = tpu.sem_alloc : memref<!tpu.dma_semaphore, #tpu.memory_space<semaphore_mem>>
      %dma_start3A = arith.constant 0 : i32
      %dma_start3A_317 = tpu.memref_slice %arg2[%run_scoped3A, %min3A_8, %dma_start3A] : memref<2x2500x128xi32, #tpu.memory_space<hbm>> -> memref<1x79x128xi32, #tpu.memory_space<hbm>>
      %dma_start3A_318 = tpu.memref_squeeze %dma_start3A_317 : memref<1x79x128xi32, #tpu.memory_space<hbm>> -> memref<79x128xi32, #tpu.memory_space<hbm>>
      %dma_start3A_319 = arith.constant 0 : i32
      %dma_start3A_320 = tpu.memref_slice %arg2[%run_scoped3A, %min3A_8, %dma_start3A_319] : memref<2x2500x128xi32, #tpu.memory_space<hbm>> -> memref<1x79x128xi32, #tpu.memory_space<hbm>>
      %dma_start3A_321 = tpu.memref_squeeze %dma_start3A_320 : memref<1x79x128xi32, #tpu.memory_space<hbm>> -> memref<79x128xi32, #tpu.memory_space<hbm>>
      tpu.enqueue_dma source(%dma_start3A_321 : memref<79x128xi32, #tpu.memory_space<hbm>>) target(%arg4 : memref<79x128xi32, #tpu.memory_space<vmem>>) target_semaphore(%run_scoped3A_316 : memref<!tpu.dma_semaphore, #tpu.memory_space<semaphore_mem>>)
      %dma_wait3A_322 = arith.constant 0 : i32
      %dma_wait3A_323 = tpu.memref_slice %arg2[%run_scoped3A, %min3A_8, %dma_wait3A_322] : memref<2x2500x128xi32, #tpu.memory_space<hbm>> -> memref<1x79x128xi32, #tpu.memory_space<hbm>>
      %dma_wait3A_324 = tpu.memref_squeeze %dma_wait3A_323 : memref<1x79x128xi32, #tpu.memory_space<hbm>> -> memref<79x128xi32, #tpu.memory_space<hbm>>
      %dma_wait3A_325 = arith.constant 0 : i32
      %dma_wait3A_326 = tpu.memref_slice %arg2[%run_scoped3A, %min3A_8, %dma_wait3A_325] : memref<2x2500x128xi32, #tpu.memory_space<hbm>> -> memref<1x79x128xi32, #tpu.memory_space<hbm>>
      %dma_wait3A_327 = tpu.memref_squeeze %dma_wait3A_326 : memref<1x79x128xi32, #tpu.memory_space<hbm>> -> memref<79x128xi32, #tpu.memory_space<hbm>>
      tpu.wait_dma2 semaphore(%run_scoped3A_316 : memref<!tpu.dma_semaphore, #tpu.memory_space<semaphore_mem>>) src(%dma_wait3A_327 : memref<79x128xi32, #tpu.memory_space<hbm>>) dst(%arg4 : memref<79x128xi32, #tpu.memory_space<vmem>>)
      tpu.yield
    }) : () -> ()
    %barrier3A = arith.constant 0 : index
    tpu.barrier barrier_id(%barrier3A)
    %scan3A = arith.constant 0 : i32
    %scan3A_297 = arith.constant 0 : i32
    %scan3A_298 = arith.constant 40 : i32
    %scan3A_299 = arith.addi %scan3A_297, %scan3A_298 : i32
    %scan3A_300 = arith.constant 1 : i32
    scf.for %scan3A_316 = %scan3A_297 to %scan3A_299 step %scan3A_300  : i32 {
      %mul3A_317 = arith.constant 2 : i32
      %mul3A_318 = arith.muli %mul3A_317, %scan3A_316 : i32
      %add3A_319 = arith.constant 0 : i32
      %add3A_320 = arith.addi %mul3A_318, %add3A_319 : i32
      %lt3A_321 = arith.cmpi slt, %add3A_320, %select_n3A : i32
      %convert_element_type3A = arith.extui %lt3A_321 : i1 to i32
      %cond3A = arith.constant 0 : i32
      %cond3A_322 = arith.cmpi ne, %convert_element_type3A, %cond3A : i32
      scf.if %cond3A_322 {
        %ge3A = arith.constant 2 : i32
        %ge3A_331 = arith.cmpi sge, %add3A_320, %ge3A : i32
        %convert_element_type3A_332 = arith.extui %ge3A_331 : i1 to i32
        %cond3A_333 = arith.constant 0 : i32
        %cond3A_334 = arith.cmpi ne, %convert_element_type3A_332, %cond3A_333 : i32
        scf.if %cond3A_334 {
          %dma_wait3A_340 = arith.constant 0 : i32
          %dma_wait3A_341 = tpu.memref_slice %arg4[%sub3A, %dma_wait3A_340] : memref<79x128xi32, #tpu.memory_space<vmem>> -> memref<1x128xi32, #tpu.memory_space<vmem>>
          %dma_wait3A_342 = tpu.memref_squeeze %dma_wait3A_341 : memref<1x128xi32, #tpu.memory_space<vmem>> -> memref<128xi32, #tpu.memory_space<vmem>>
          %dma_wait3A_343 = arith.constant 0 : i32
          %dma_wait3A_344 = tpu.memref_slice %arg7[%dma_wait3A_343] : memref<10240xf32, #tpu.memory_space<vmem_shared>> -> memref<10240xf32, #tpu.memory_space<vmem_shared>>
          tpu.wait_indirect_dma semaphore(%arg8 : memref<!tpu.dma_semaphore, #tpu.memory_space<semaphore_mem>>) src(%arg5 : memref<128xf32, #tpu.memory_space<vmem>>) dst(%dma_wait3A_344 : memref<10240xf32, #tpu.memory_space<vmem_shared>>)
        } else {
        }
        %add3A_335 = arith.addi %add3A_320, %sub3A : i32
        %dma_start3A = arith.constant 0 : i32
        %dma_start3A_336 = tpu.memref_slice %arg4[%add3A_335, %dma_start3A] : memref<79x128xi32, #tpu.memory_space<vmem>> -> memref<1x128xi32, #tpu.memory_space<vmem>>
        %dma_start3A_337 = tpu.memref_squeeze %dma_start3A_336 : memref<1x128xi32, #tpu.memory_space<vmem>> -> memref<128xi32, #tpu.memory_space<vmem>>
        %dma_start3A_338 = arith.constant 0 : i32
        %dma_start3A_339 = tpu.memref_slice %arg7[%dma_start3A_338] : memref<10240xf32, #tpu.memory_space<vmem_shared>> -> memref<10240xf32, #tpu.memory_space<vmem_shared>>
        tpu.enqueue_indirect_dma source(%arg5 : memref<128xf32, #tpu.memory_space<vmem>>) target(%dma_start3A_339 : memref<10240xf32, #tpu.memory_space<vmem_shared>>) offsets(%dma_start3A_337 : memref<128xi32, #tpu.memory_space<vmem>>) semaphore(%arg8 : memref<!tpu.dma_semaphore, #tpu.memory_space<semaphore_mem>>) {add = true}
      } else {
      }
      %mul3A_323 = arith.constant 2 : i32
      %mul3A_324 = arith.muli %mul3A_323, %scan3A_316 : i32
      %add3A_325 = arith.constant 1 : i32
      %add3A_326 = arith.addi %mul3A_324, %add3A_325 : i32
      %lt3A_327 = arith.cmpi slt, %add3A_326, %select_n3A : i32
      %convert_element_type3A_328 = arith.extui %lt3A_327 : i1 to i32
      %cond3A_329 = arith.constant 0 : i32
      %cond3A_330 = arith.cmpi ne, %convert_element_type3A_328, %cond3A_329 : i32
      scf.if %cond3A_330 {
        %ge3A = arith.constant 2 : i32
        %ge3A_331 = arith.cmpi sge, %add3A_326, %ge3A : i32
        %convert_element_type3A_332 = arith.extui %ge3A_331 : i1 to i32
        %cond3A_333 = arith.constant 0 : i32
        %cond3A_334 = arith.cmpi ne, %convert_element_type3A_332, %cond3A_333 : i32
        scf.if %cond3A_334 {
          %dma_wait3A_340 = arith.constant 0 : i32
          %dma_wait3A_341 = tpu.memref_slice %arg4[%sub3A, %dma_wait3A_340] : memref<79x128xi32, #tpu.memory_space<vmem>> -> memref<1x128xi32, #tpu.memory_space<vmem>>
          %dma_wait3A_342 = tpu.memref_squeeze %dma_wait3A_341 : memref<1x128xi32, #tpu.memory_space<vmem>> -> memref<128xi32, #tpu.memory_space<vmem>>
          %dma_wait3A_343 = arith.constant 0 : i32
          %dma_wait3A_344 = tpu.memref_slice %arg7[%dma_wait3A_343] : memref<10240xf32, #tpu.memory_space<vmem_shared>> -> memref<10240xf32, #tpu.memory_space<vmem_shared>>
          tpu.wait_indirect_dma semaphore(%arg9 : memref<!tpu.dma_semaphore, #tpu.memory_space<semaphore_mem>>) src(%arg5 : memref<128xf32, #tpu.memory_space<vmem>>) dst(%dma_wait3A_344 : memref<10240xf32, #tpu.memory_space<vmem_shared>>)
        } else {
        }
        %add3A_335 = arith.addi %add3A_326, %sub3A : i32
        %dma_start3A = arith.constant 0 : i32
        %dma_start3A_336 = tpu.memref_slice %arg4[%add3A_335, %dma_start3A] : memref<79x128xi32, #tpu.memory_space<vmem>> -> memref<1x128xi32, #tpu.memory_space<vmem>>
        %dma_start3A_337 = tpu.memref_squeeze %dma_start3A_336 : memref<1x128xi32, #tpu.memory_space<vmem>> -> memref<128xi32, #tpu.memory_space<vmem>>
        %dma_start3A_338 = arith.constant 0 : i32
        %dma_start3A_339 = tpu.memref_slice %arg7[%dma_start3A_338] : memref<10240xf32, #tpu.memory_space<vmem_shared>> -> memref<10240xf32, #tpu.memory_space<vmem_shared>>
        tpu.enqueue_indirect_dma source(%arg5 : memref<128xf32, #tpu.memory_space<vmem>>) target(%dma_start3A_339 : memref<10240xf32, #tpu.memory_space<vmem_shared>>) offsets(%dma_start3A_337 : memref<128xi32, #tpu.memory_space<vmem>>) semaphore(%arg9 : memref<!tpu.dma_semaphore, #tpu.memory_space<semaphore_mem>>) {add = true}
      } else {
      }
    }
    %scan3A_301 = arith.constant 40 : i32
    %dma_wait3A = arith.constant 0 : i32
    %dma_wait3A_302 = tpu.memref_slice %arg4[%sub3A, %dma_wait3A] : memref<79x128xi32, #tpu.memory_space<vmem>> -> memref<1x128xi32, #tpu.memory_space<vmem>>
    %dma_wait3A_303 = tpu.memref_squeeze %dma_wait3A_302 : memref<1x128xi32, #tpu.memory_space<vmem>> -> memref<128xi32, #tpu.memory_space<vmem>>
    %dma_wait3A_304 = arith.constant 0 : i32
    %dma_wait3A_305 = tpu.memref_slice %arg7[%dma_wait3A_304] : memref<10240xf32, #tpu.memory_space<vmem_shared>> -> memref<10240xf32, #tpu.memory_space<vmem_shared>>
    tpu.wait_indirect_dma semaphore(%arg8 : memref<!tpu.dma_semaphore, #tpu.memory_space<semaphore_mem>>) src(%arg5 : memref<128xf32, #tpu.memory_space<vmem>>) dst(%dma_wait3A_305 : memref<10240xf32, #tpu.memory_space<vmem_shared>>)
    %dma_wait3A_306 = arith.constant 0 : i32
    %dma_wait3A_307 = tpu.memref_slice %arg4[%sub3A, %dma_wait3A_306] : memref<79x128xi32, #tpu.memory_space<vmem>> -> memref<1x128xi32, #tpu.memory_space<vmem>>
    %dma_wait3A_308 = tpu.memref_squeeze %dma_wait3A_307 : memref<1x128xi32, #tpu.memory_space<vmem>> -> memref<128xi32, #tpu.memory_space<vmem>>
    %dma_wait3A_309 = arith.constant 0 : i32
    %dma_wait3A_310 = tpu.memref_slice %arg7[%dma_wait3A_309] : memref<10240xf32, #tpu.memory_space<vmem_shared>> -> memref<10240xf32, #tpu.memory_space<vmem_shared>>
    tpu.wait_indirect_dma semaphore(%arg9 : memref<!tpu.dma_semaphore, #tpu.memory_space<semaphore_mem>>) src(%arg5 : memref<128xf32, #tpu.memory_space<vmem>>) dst(%dma_wait3A_310 : memref<10240xf32, #tpu.memory_space<vmem_shared>>)
    %barrier3A_311 = arith.constant 0 : index
    tpu.barrier barrier_id(%barrier3A_311)
    %mul3A_312 = arith.constant 640 : i32
    %mul3A_313 = arith.muli %arg1, %mul3A_312 : i32
    "tpu.region"() ({
      %run_scoped3A_316 = tpu.sem_alloc : memref<!tpu.dma_semaphore, #tpu.memory_space<semaphore_mem>>
      %dma_start3A = tpu.memref_slice %arg7[%mul3A_313] : memref<10240xf32, #tpu.memory_space<vmem_shared>> -> memref<640xf32, #tpu.memory_space<vmem_shared>>
      %dma_start3A_317 = tpu.memref_slice %arg7[%mul3A_313] : memref<10240xf32, #tpu.memory_space<vmem_shared>> -> memref<640xf32, #tpu.memory_space<vmem_shared>>
      tpu.enqueue_dma source(%dma_start3A_317 : memref<640xf32, #tpu.memory_space<vmem_shared>>) target(%arg6 : memref<640xf32, #tpu.memory_space<vmem>>) target_semaphore(%run_scoped3A_316 : memref<!tpu.dma_semaphore, #tpu.memory_space<semaphore_mem>>)
      %dma_wait3A_318 = tpu.memref_slice %arg7[%mul3A_313] : memref<10240xf32, #tpu.memory_space<vmem_shared>> -> memref<640xf32, #tpu.memory_space<vmem_shared>>
      %dma_wait3A_319 = tpu.memref_slice %arg7[%mul3A_313] : memref<10240xf32, #tpu.memory_space<vmem_shared>> -> memref<640xf32, #tpu.memory_space<vmem_shared>>
      tpu.wait_dma2 semaphore(%run_scoped3A_316 : memref<!tpu.dma_semaphore, #tpu.memory_space<semaphore_mem>>) src(%dma_wait3A_319 : memref<640xf32, #tpu.memory_space<vmem_shared>>) dst(%arg6 : memref<640xf32, #tpu.memory_space<vmem>>)
      tpu.yield
    }) : () -> ()
    %mul3A_314 = arith.constant 640 : i32
    %mul3A_315 = arith.muli %arg1, %mul3A_314 : i32
    "tpu.region"() ({
      %run_scoped3A_316 = tpu.sem_alloc : memref<!tpu.dma_semaphore, #tpu.memory_space<semaphore_mem>>
      %dma_start3A = tpu.memref_slice %arg3[%arg0, %mul3A_315] : memref<2x10240xf32, #tpu.memory_space<hbm>> -> memref<1x640xf32, #tpu.memory_space<hbm>>
      %dma_start3A_317 = tpu.memref_squeeze %dma_start3A : memref<1x640xf32, #tpu.memory_space<hbm>> -> memref<640xf32, #tpu.memory_space<hbm>>
      %dma_start3A_318 = tpu.memref_slice %arg3[%arg0, %mul3A_315] : memref<2x10240xf32, #tpu.memory_space<hbm>> -> memref<1x640xf32, #tpu.memory_space<hbm>>
      %dma_start3A_319 = tpu.memref_squeeze %dma_start3A_318 : memref<1x640xf32, #tpu.memory_space<hbm>> -> memref<640xf32, #tpu.memory_space<hbm>>
      tpu.enqueue_dma source(%arg6 : memref<640xf32, #tpu.memory_space<vmem>>) target(%dma_start3A_319 : memref<640xf32, #tpu.memory_space<hbm>>) target_semaphore(%run_scoped3A_316 : memref<!tpu.dma_semaphore, #tpu.memory_space<semaphore_mem>>)
      %dma_wait3A_320 = tpu.memref_slice %arg3[%arg0, %mul3A_315] : memref<2x10240xf32, #tpu.memory_space<hbm>> -> memref<1x640xf32, #tpu.memory_space<hbm>>
      %dma_wait3A_321 = tpu.memref_squeeze %dma_wait3A_320 : memref<1x640xf32, #tpu.memory_space<hbm>> -> memref<640xf32, #tpu.memory_space<hbm>>
      %dma_wait3A_322 = tpu.memref_slice %arg3[%arg0, %mul3A_315] : memref<2x10240xf32, #tpu.memory_space<hbm>> -> memref<1x640xf32, #tpu.memory_space<hbm>>
      %dma_wait3A_323 = tpu.memref_squeeze %dma_wait3A_322 : memref<1x640xf32, #tpu.memory_space<hbm>> -> memref<640xf32, #tpu.memory_space<hbm>>
      tpu.wait_dma2 semaphore(%run_scoped3A_316 : memref<!tpu.dma_semaphore, #tpu.memory_space<semaphore_mem>>) src(%arg6 : memref<640xf32, #tpu.memory_space<vmem>>) dst(%dma_wait3A_323 : memref<640xf32, #tpu.memory_space<hbm>>)
      tpu.yield
    }) : () -> ()
    return
  }
}

#map = affine_map<(d0, d1) -> (0, 0)>
#map1 = affine_map<(d0, d1) -> (0, 0, 0)>
module attributes {stable_mosaic.version = 14 : i64} {
  func.func @_agg_body(%arg0: i32, %arg1: i32, %arg2: memref<10240x64xbf16, #tpu.memory_space<hbm>>, %arg3: memref<2x2500x128xi32, #tpu.memory_space<hbm>>, %arg4: memref<2x10240x64xbf16, #tpu.memory_space<hbm>>, %arg5: memref<79x128xi32, #tpu.memory_space<vmem>>, %arg6: memref<79x128xi32, #tpu.memory_space<vmem>>, %arg7: memref<128x64xbf16, #tpu.memory_space<vmem>>, %arg8: memref<128x64xbf16, #tpu.memory_space<vmem>>, %arg9: memref<640x64xbf16, #tpu.memory_space<vmem>>, %arg10: memref<10240x64xbf16, #tpu.memory_space<vmem_shared>>, %arg11: memref<10240x64xbf16, #tpu.memory_space<vmem_shared>>, %arg12: memref<!tpu.dma_semaphore, #tpu.memory_space<semaphore_mem>>, %arg13: memref<!tpu.dma_semaphore, #tpu.memory_space<semaphore_mem>>) attributes {dimension_semantics = [#tpu.dimension_semantics<core_parallel>, #tpu.dimension_semantics<subcore_parallel>], iteration_bounds = array<i64: 2, 16>, scalar_prefetch = 0 : i64, scratch_operands = 9 : i64, tpu.core_type = #tpu.core_type<sc_vector_subcore>, window_params = [{transform_indices = #map}, {transform_indices = #map1}, {transform_indices = #map1}]} {
    %mul3A = arith.constant 16 : i32
    %mul3A_0 = arith.muli %arg0, %mul3A : i32
    %add3A = arith.addi %mul3A_0, %arg1 : i32
    %lt3A = arith.constant 4 : i32
    %lt3A_1 = arith.cmpi slt, %add3A, %lt3A : i32
    %jit3A = arith.constant 79 : i32
    %jit3A_2 = arith.constant 78 : i32
    %select_n3A = arith.select %lt3A_1, %jit3A, %jit3A_2 : i32
    %mul3A_3 = arith.constant 78 : i32
    %mul3A_4 = arith.muli %add3A, %mul3A_3 : i32
    %min3A = arith.constant 4 : i32
    %min3A_5 = arith.minsi %add3A, %min3A : i32
    %add3A_6 = arith.addi %mul3A_4, %min3A_5 : i32
    %min3A_7 = arith.constant 2421 : i32
    %min3A_8 = arith.minsi %add3A_6, %min3A_7 : i32
    %sub3A = arith.subi %add3A_6, %min3A_8 : i32
    %mul3A_9 = arith.constant 640 : i32
    %mul3A_10 = arith.muli %arg1, %mul3A_9 : i32
    "tpu.region"() ({
      %run_scoped3A_33 = tpu.sem_alloc : memref<!tpu.dma_semaphore, #tpu.memory_space<semaphore_mem>>
      %dma_start3A_34 = arith.constant 0 : i32
      %dma_start3A_35 = tpu.memref_slice %arg2[%mul3A_10, %dma_start3A_34] : memref<10240x64xbf16, #tpu.memory_space<hbm>> -> memref<640x64xbf16, #tpu.memory_space<hbm>>
      %dma_start3A_36 = arith.constant 0 : i32
      %dma_start3A_37 = tpu.memref_slice %arg2[%mul3A_10, %dma_start3A_36] : memref<10240x64xbf16, #tpu.memory_space<hbm>> -> memref<640x64xbf16, #tpu.memory_space<hbm>>
      tpu.enqueue_dma source(%dma_start3A_37 : memref<640x64xbf16, #tpu.memory_space<hbm>>) target(%arg9 : memref<640x64xbf16, #tpu.memory_space<vmem>>) target_semaphore(%run_scoped3A_33 : memref<!tpu.dma_semaphore, #tpu.memory_space<semaphore_mem>>)
      %dma_wait3A = arith.constant 0 : i32
      %dma_wait3A_38 = tpu.memref_slice %arg2[%mul3A_10, %dma_wait3A] : memref<10240x64xbf16, #tpu.memory_space<hbm>> -> memref<640x64xbf16, #tpu.memory_space<hbm>>
      %dma_wait3A_39 = arith.constant 0 : i32
      %dma_wait3A_40 = tpu.memref_slice %arg2[%mul3A_10, %dma_wait3A_39] : memref<10240x64xbf16, #tpu.memory_space<hbm>> -> memref<640x64xbf16, #tpu.memory_space<hbm>>
      tpu.wait_dma2 semaphore(%run_scoped3A_33 : memref<!tpu.dma_semaphore, #tpu.memory_space<semaphore_mem>>) src(%dma_wait3A_40 : memref<640x64xbf16, #tpu.memory_space<hbm>>) dst(%arg9 : memref<640x64xbf16, #tpu.memory_space<vmem>>)
      tpu.yield
    }) : () -> ()
    %mul3A_11 = arith.constant 640 : i32
    %mul3A_12 = arith.muli %arg1, %mul3A_11 : i32
    "tpu.region"() ({
      %run_scoped3A_33 = tpu.sem_alloc : memref<!tpu.dma_semaphore, #tpu.memory_space<semaphore_mem>>
      %dma_start3A_34 = arith.constant 0 : i32
      %dma_start3A_35 = tpu.memref_slice %arg10[%mul3A_12, %dma_start3A_34] : memref<10240x64xbf16, #tpu.memory_space<vmem_shared>> -> memref<640x64xbf16, #tpu.memory_space<vmem_shared>>
      %dma_start3A_36 = arith.constant 0 : i32
      %dma_start3A_37 = tpu.memref_slice %arg10[%mul3A_12, %dma_start3A_36] : memref<10240x64xbf16, #tpu.memory_space<vmem_shared>> -> memref<640x64xbf16, #tpu.memory_space<vmem_shared>>
      tpu.enqueue_dma source(%arg9 : memref<640x64xbf16, #tpu.memory_space<vmem>>) target(%dma_start3A_37 : memref<640x64xbf16, #tpu.memory_space<vmem_shared>>) target_semaphore(%run_scoped3A_33 : memref<!tpu.dma_semaphore, #tpu.memory_space<semaphore_mem>>)
      %dma_wait3A = arith.constant 0 : i32
      %dma_wait3A_38 = tpu.memref_slice %arg10[%mul3A_12, %dma_wait3A] : memref<10240x64xbf16, #tpu.memory_space<vmem_shared>> -> memref<640x64xbf16, #tpu.memory_space<vmem_shared>>
      %dma_wait3A_39 = arith.constant 0 : i32
      %dma_wait3A_40 = tpu.memref_slice %arg10[%mul3A_12, %dma_wait3A_39] : memref<10240x64xbf16, #tpu.memory_space<vmem_shared>> -> memref<640x64xbf16, #tpu.memory_space<vmem_shared>>
      tpu.wait_dma2 semaphore(%run_scoped3A_33 : memref<!tpu.dma_semaphore, #tpu.memory_space<semaphore_mem>>) src(%arg9 : memref<640x64xbf16, #tpu.memory_space<vmem>>) dst(%dma_wait3A_40 : memref<640x64xbf16, #tpu.memory_space<vmem_shared>>)
      tpu.yield
    }) : () -> ()
    %mul3A_13 = arith.constant 640 : i32
    %mul3A_14 = arith.muli %arg1, %mul3A_13 : i32
    "tpu.region"() ({
      %run_scoped3A_33 = tpu.sem_alloc : memref<!tpu.dma_semaphore, #tpu.memory_space<semaphore_mem>>
      %dma_start3A_34 = arith.constant 0 : i32
      %dma_start3A_35 = tpu.memref_slice %arg11[%mul3A_14, %dma_start3A_34] : memref<10240x64xbf16, #tpu.memory_space<vmem_shared>> -> memref<640x64xbf16, #tpu.memory_space<vmem_shared>>
      %dma_start3A_36 = arith.constant 0 : i32
      %dma_start3A_37 = tpu.memref_slice %arg11[%mul3A_14, %dma_start3A_36] : memref<10240x64xbf16, #tpu.memory_space<vmem_shared>> -> memref<640x64xbf16, #tpu.memory_space<vmem_shared>>
      tpu.enqueue_dma source(%arg9 : memref<640x64xbf16, #tpu.memory_space<vmem>>) target(%dma_start3A_37 : memref<640x64xbf16, #tpu.memory_space<vmem_shared>>) target_semaphore(%run_scoped3A_33 : memref<!tpu.dma_semaphore, #tpu.memory_space<semaphore_mem>>)
      %dma_wait3A = arith.constant 0 : i32
      %dma_wait3A_38 = tpu.memref_slice %arg11[%mul3A_14, %dma_wait3A] : memref<10240x64xbf16, #tpu.memory_space<vmem_shared>> -> memref<640x64xbf16, #tpu.memory_space<vmem_shared>>
      %dma_wait3A_39 = arith.constant 0 : i32
      %dma_wait3A_40 = tpu.memref_slice %arg11[%mul3A_14, %dma_wait3A_39] : memref<10240x64xbf16, #tpu.memory_space<vmem_shared>> -> memref<640x64xbf16, #tpu.memory_space<vmem_shared>>
      tpu.wait_dma2 semaphore(%run_scoped3A_33 : memref<!tpu.dma_semaphore, #tpu.memory_space<semaphore_mem>>) src(%arg9 : memref<640x64xbf16, #tpu.memory_space<vmem>>) dst(%dma_wait3A_40 : memref<640x64xbf16, #tpu.memory_space<vmem_shared>>)
      tpu.yield
    }) : () -> ()
    %run_scoped3A = arith.constant 0 : i32
    "tpu.region"() ({
      %run_scoped3A_33 = tpu.sem_alloc : memref<!tpu.dma_semaphore, #tpu.memory_space<semaphore_mem>>
      %dma_start3A_34 = arith.constant 0 : i32
      %dma_start3A_35 = tpu.memref_slice %arg3[%run_scoped3A, %min3A_8, %dma_start3A_34] : memref<2x2500x128xi32, #tpu.memory_space<hbm>> -> memref<1x79x128xi32, #tpu.memory_space<hbm>>
      %dma_start3A_36 = tpu.memref_squeeze %dma_start3A_35 : memref<1x79x128xi32, #tpu.memory_space<hbm>> -> memref<79x128xi32, #tpu.memory_space<hbm>>
      %dma_start3A_37 = arith.constant 0 : i32
      %dma_start3A_38 = tpu.memref_slice %arg3[%run_scoped3A, %min3A_8, %dma_start3A_37] : memref<2x2500x128xi32, #tpu.memory_space<hbm>> -> memref<1x79x128xi32, #tpu.memory_space<hbm>>
      %dma_start3A_39 = tpu.memref_squeeze %dma_start3A_38 : memref<1x79x128xi32, #tpu.memory_space<hbm>> -> memref<79x128xi32, #tpu.memory_space<hbm>>
      tpu.enqueue_dma source(%dma_start3A_39 : memref<79x128xi32, #tpu.memory_space<hbm>>) target(%arg5 : memref<79x128xi32, #tpu.memory_space<vmem>>) target_semaphore(%run_scoped3A_33 : memref<!tpu.dma_semaphore, #tpu.memory_space<semaphore_mem>>)
      %dma_wait3A = arith.constant 0 : i32
      %dma_wait3A_40 = tpu.memref_slice %arg3[%run_scoped3A, %min3A_8, %dma_wait3A] : memref<2x2500x128xi32, #tpu.memory_space<hbm>> -> memref<1x79x128xi32, #tpu.memory_space<hbm>>
      %dma_wait3A_41 = tpu.memref_squeeze %dma_wait3A_40 : memref<1x79x128xi32, #tpu.memory_space<hbm>> -> memref<79x128xi32, #tpu.memory_space<hbm>>
      %dma_wait3A_42 = arith.constant 0 : i32
      %dma_wait3A_43 = tpu.memref_slice %arg3[%run_scoped3A, %min3A_8, %dma_wait3A_42] : memref<2x2500x128xi32, #tpu.memory_space<hbm>> -> memref<1x79x128xi32, #tpu.memory_space<hbm>>
      %dma_wait3A_44 = tpu.memref_squeeze %dma_wait3A_43 : memref<1x79x128xi32, #tpu.memory_space<hbm>> -> memref<79x128xi32, #tpu.memory_space<hbm>>
      tpu.wait_dma2 semaphore(%run_scoped3A_33 : memref<!tpu.dma_semaphore, #tpu.memory_space<semaphore_mem>>) src(%dma_wait3A_44 : memref<79x128xi32, #tpu.memory_space<hbm>>) dst(%arg5 : memref<79x128xi32, #tpu.memory_space<vmem>>)
      tpu.yield
    }) : () -> ()
    %run_scoped3A_15 = arith.constant 1 : i32
    "tpu.region"() ({
      %run_scoped3A_33 = tpu.sem_alloc : memref<!tpu.dma_semaphore, #tpu.memory_space<semaphore_mem>>
      %dma_start3A_34 = arith.constant 0 : i32
      %dma_start3A_35 = tpu.memref_slice %arg3[%run_scoped3A_15, %min3A_8, %dma_start3A_34] : memref<2x2500x128xi32, #tpu.memory_space<hbm>> -> memref<1x79x128xi32, #tpu.memory_space<hbm>>
      %dma_start3A_36 = tpu.memref_squeeze %dma_start3A_35 : memref<1x79x128xi32, #tpu.memory_space<hbm>> -> memref<79x128xi32, #tpu.memory_space<hbm>>
      %dma_start3A_37 = arith.constant 0 : i32
      %dma_start3A_38 = tpu.memref_slice %arg3[%run_scoped3A_15, %min3A_8, %dma_start3A_37] : memref<2x2500x128xi32, #tpu.memory_space<hbm>> -> memref<1x79x128xi32, #tpu.memory_space<hbm>>
      %dma_start3A_39 = tpu.memref_squeeze %dma_start3A_38 : memref<1x79x128xi32, #tpu.memory_space<hbm>> -> memref<79x128xi32, #tpu.memory_space<hbm>>
      tpu.enqueue_dma source(%dma_start3A_39 : memref<79x128xi32, #tpu.memory_space<hbm>>) target(%arg6 : memref<79x128xi32, #tpu.memory_space<vmem>>) target_semaphore(%run_scoped3A_33 : memref<!tpu.dma_semaphore, #tpu.memory_space<semaphore_mem>>)
      %dma_wait3A = arith.constant 0 : i32
      %dma_wait3A_40 = tpu.memref_slice %arg3[%run_scoped3A_15, %min3A_8, %dma_wait3A] : memref<2x2500x128xi32, #tpu.memory_space<hbm>> -> memref<1x79x128xi32, #tpu.memory_space<hbm>>
      %dma_wait3A_41 = tpu.memref_squeeze %dma_wait3A_40 : memref<1x79x128xi32, #tpu.memory_space<hbm>> -> memref<79x128xi32, #tpu.memory_space<hbm>>
      %dma_wait3A_42 = arith.constant 0 : i32
      %dma_wait3A_43 = tpu.memref_slice %arg3[%run_scoped3A_15, %min3A_8, %dma_wait3A_42] : memref<2x2500x128xi32, #tpu.memory_space<hbm>> -> memref<1x79x128xi32, #tpu.memory_space<hbm>>
      %dma_wait3A_44 = tpu.memref_squeeze %dma_wait3A_43 : memref<1x79x128xi32, #tpu.memory_space<hbm>> -> memref<79x128xi32, #tpu.memory_space<hbm>>
      tpu.wait_dma2 semaphore(%run_scoped3A_33 : memref<!tpu.dma_semaphore, #tpu.memory_space<semaphore_mem>>) src(%dma_wait3A_44 : memref<79x128xi32, #tpu.memory_space<hbm>>) dst(%arg6 : memref<79x128xi32, #tpu.memory_space<vmem>>)
      tpu.yield
    }) : () -> ()
    %barrier3A = arith.constant 0 : index
    tpu.barrier barrier_id(%barrier3A)
    %add3A_16 = arith.constant 0 : i32
    %add3A_17 = arith.addi %add3A_16, %sub3A : i32
    %dma_start3A = arith.constant 0 : i32
    %dma_start3A_18 = tpu.memref_slice %arg5[%add3A_17, %dma_start3A] : memref<79x128xi32, #tpu.memory_space<vmem>> -> memref<1x128xi32, #tpu.memory_space<vmem>>
    %dma_start3A_19 = tpu.memref_squeeze %dma_start3A_18 : memref<1x128xi32, #tpu.memory_space<vmem>> -> memref<128xi32, #tpu.memory_space<vmem>>
    %dma_start3A_20 = arith.constant 0 : i32
    %dma_start3A_21 = arith.constant 0 : i32
    %dma_start3A_22 = tpu.memref_slice %arg10[%dma_start3A_20, %dma_start3A_21] : memref<10240x64xbf16, #tpu.memory_space<vmem_shared>> -> memref<10240x64xbf16, #tpu.memory_space<vmem_shared>>
    tpu.enqueue_indirect_dma source(%dma_start3A_22 : memref<10240x64xbf16, #tpu.memory_space<vmem_shared>>) target(%arg7 : memref<128x64xbf16, #tpu.memory_space<vmem>>) offsets(%dma_start3A_19 : memref<128xi32, #tpu.memory_space<vmem>>) semaphore(%arg12 : memref<!tpu.dma_semaphore, #tpu.memory_space<semaphore_mem>>)
    %scan3A = arith.constant 0 : i32
    %scan3A_23 = arith.constant 0 : i32
    %scan3A_24 = arith.constant 40 : i32
    %scan3A_25 = arith.addi %scan3A_23, %scan3A_24 : i32
    %scan3A_26 = arith.constant 1 : i32
    scf.for %scan3A_33 = %scan3A_23 to %scan3A_25 step %scan3A_26  : i32 {
      %mul3A_34 = arith.constant 2 : i32
      %mul3A_35 = arith.muli %mul3A_34, %scan3A_33 : i32
      %add3A_36 = arith.constant 1 : i32
      %add3A_37 = arith.addi %mul3A_35, %add3A_36 : i32
      %lt3A_38 = arith.cmpi slt, %add3A_37, %select_n3A : i32
      %convert_element_type3A = arith.extui %lt3A_38 : i1 to i32
      %cond3A = arith.constant 0 : i32
      %cond3A_39 = arith.cmpi ne, %convert_element_type3A, %cond3A : i32
      scf.if %cond3A_39 {
        %add3A_56 = arith.constant 1 : i32
        %add3A_57 = arith.addi %mul3A_35, %add3A_56 : i32
        %add3A_58 = arith.addi %add3A_57, %sub3A : i32
        %dma_start3A_59 = arith.constant 0 : i32
        %dma_start3A_60 = tpu.memref_slice %arg5[%add3A_58, %dma_start3A_59] : memref<79x128xi32, #tpu.memory_space<vmem>> -> memref<1x128xi32, #tpu.memory_space<vmem>>
        %dma_start3A_61 = tpu.memref_squeeze %dma_start3A_60 : memref<1x128xi32, #tpu.memory_space<vmem>> -> memref<128xi32, #tpu.memory_space<vmem>>
        %dma_start3A_62 = arith.constant 0 : i32
        %dma_start3A_63 = arith.constant 0 : i32
        %dma_start3A_64 = tpu.memref_slice %arg10[%dma_start3A_62, %dma_start3A_63] : memref<10240x64xbf16, #tpu.memory_space<vmem_shared>> -> memref<10240x64xbf16, #tpu.memory_space<vmem_shared>>
        tpu.enqueue_indirect_dma source(%dma_start3A_64 : memref<10240x64xbf16, #tpu.memory_space<vmem_shared>>) target(%arg8 : memref<128x64xbf16, #tpu.memory_space<vmem>>) offsets(%dma_start3A_61 : memref<128xi32, #tpu.memory_space<vmem>>) semaphore(%arg13 : memref<!tpu.dma_semaphore, #tpu.memory_space<semaphore_mem>>)
      } else {
      }
      %lt3A_40 = arith.cmpi slt, %mul3A_35, %select_n3A : i32
      %convert_element_type3A_41 = arith.extui %lt3A_40 : i1 to i32
      %cond3A_42 = arith.constant 0 : i32
      %cond3A_43 = arith.cmpi ne, %convert_element_type3A_41, %cond3A_42 : i32
      scf.if %cond3A_43 {
        %add3A_56 = arith.addi %mul3A_35, %sub3A : i32
        %dma_wait3A = arith.constant 0 : i32
        %dma_wait3A_57 = tpu.memref_slice %arg5[%add3A_56, %dma_wait3A] : memref<79x128xi32, #tpu.memory_space<vmem>> -> memref<1x128xi32, #tpu.memory_space<vmem>>
        %dma_wait3A_58 = tpu.memref_squeeze %dma_wait3A_57 : memref<1x128xi32, #tpu.memory_space<vmem>> -> memref<128xi32, #tpu.memory_space<vmem>>
        %dma_wait3A_59 = arith.constant 0 : i32
        %dma_wait3A_60 = arith.constant 0 : i32
        %dma_wait3A_61 = tpu.memref_slice %arg10[%dma_wait3A_59, %dma_wait3A_60] : memref<10240x64xbf16, #tpu.memory_space<vmem_shared>> -> memref<10240x64xbf16, #tpu.memory_space<vmem_shared>>
        tpu.wait_indirect_dma semaphore(%arg12 : memref<!tpu.dma_semaphore, #tpu.memory_space<semaphore_mem>>) src(%dma_wait3A_61 : memref<10240x64xbf16, #tpu.memory_space<vmem_shared>>) dst(%arg7 : memref<128x64xbf16, #tpu.memory_space<vmem>>)
        %add3A_62 = arith.addi %mul3A_35, %sub3A : i32
        "tpu.region"() ({
          %run_scoped3A_63 = tpu.sem_alloc : memref<!tpu.dma_semaphore, #tpu.memory_space<semaphore_mem>>
          %dma_start3A_64 = arith.constant 0 : i32
          %dma_start3A_65 = tpu.memref_slice %arg6[%add3A_62, %dma_start3A_64] : memref<79x128xi32, #tpu.memory_space<vmem>> -> memref<1x128xi32, #tpu.memory_space<vmem>>
          %dma_start3A_66 = tpu.memref_squeeze %dma_start3A_65 : memref<1x128xi32, #tpu.memory_space<vmem>> -> memref<128xi32, #tpu.memory_space<vmem>>
          %dma_start3A_67 = arith.constant 0 : i32
          %dma_start3A_68 = arith.constant 0 : i32
          %dma_start3A_69 = tpu.memref_slice %arg11[%dma_start3A_67, %dma_start3A_68] : memref<10240x64xbf16, #tpu.memory_space<vmem_shared>> -> memref<10240x64xbf16, #tpu.memory_space<vmem_shared>>
          tpu.enqueue_indirect_dma source(%arg7 : memref<128x64xbf16, #tpu.memory_space<vmem>>) target(%dma_start3A_69 : memref<10240x64xbf16, #tpu.memory_space<vmem_shared>>) offsets(%dma_start3A_66 : memref<128xi32, #tpu.memory_space<vmem>>) semaphore(%run_scoped3A_63 : memref<!tpu.dma_semaphore, #tpu.memory_space<semaphore_mem>>) {add = true}
          %dma_wait3A_70 = arith.constant 0 : i32
          %dma_wait3A_71 = tpu.memref_slice %arg6[%add3A_62, %dma_wait3A_70] : memref<79x128xi32, #tpu.memory_space<vmem>> -> memref<1x128xi32, #tpu.memory_space<vmem>>
          %dma_wait3A_72 = tpu.memref_squeeze %dma_wait3A_71 : memref<1x128xi32, #tpu.memory_space<vmem>> -> memref<128xi32, #tpu.memory_space<vmem>>
          %dma_wait3A_73 = arith.constant 0 : i32
          %dma_wait3A_74 = arith.constant 0 : i32
          %dma_wait3A_75 = tpu.memref_slice %arg11[%dma_wait3A_73, %dma_wait3A_74] : memref<10240x64xbf16, #tpu.memory_space<vmem_shared>> -> memref<10240x64xbf16, #tpu.memory_space<vmem_shared>>
          tpu.wait_indirect_dma semaphore(%run_scoped3A_63 : memref<!tpu.dma_semaphore, #tpu.memory_space<semaphore_mem>>) src(%arg7 : memref<128x64xbf16, #tpu.memory_space<vmem>>) dst(%dma_wait3A_75 : memref<10240x64xbf16, #tpu.memory_space<vmem_shared>>)
          tpu.yield
        }) : () -> ()
      } else {
      }
      %add3A_44 = arith.constant 2 : i32
      %add3A_45 = arith.addi %mul3A_35, %add3A_44 : i32
      %lt3A_46 = arith.cmpi slt, %add3A_45, %select_n3A : i32
      %convert_element_type3A_47 = arith.extui %lt3A_46 : i1 to i32
      %cond3A_48 = arith.constant 0 : i32
      %cond3A_49 = arith.cmpi ne, %convert_element_type3A_47, %cond3A_48 : i32
      scf.if %cond3A_49 {
        %add3A_56 = arith.constant 2 : i32
        %add3A_57 = arith.addi %mul3A_35, %add3A_56 : i32
        %add3A_58 = arith.addi %add3A_57, %sub3A : i32
        %dma_start3A_59 = arith.constant 0 : i32
        %dma_start3A_60 = tpu.memref_slice %arg5[%add3A_58, %dma_start3A_59] : memref<79x128xi32, #tpu.memory_space<vmem>> -> memref<1x128xi32, #tpu.memory_space<vmem>>
        %dma_start3A_61 = tpu.memref_squeeze %dma_start3A_60 : memref<1x128xi32, #tpu.memory_space<vmem>> -> memref<128xi32, #tpu.memory_space<vmem>>
        %dma_start3A_62 = arith.constant 0 : i32
        %dma_start3A_63 = arith.constant 0 : i32
        %dma_start3A_64 = tpu.memref_slice %arg10[%dma_start3A_62, %dma_start3A_63] : memref<10240x64xbf16, #tpu.memory_space<vmem_shared>> -> memref<10240x64xbf16, #tpu.memory_space<vmem_shared>>
        tpu.enqueue_indirect_dma source(%dma_start3A_64 : memref<10240x64xbf16, #tpu.memory_space<vmem_shared>>) target(%arg7 : memref<128x64xbf16, #tpu.memory_space<vmem>>) offsets(%dma_start3A_61 : memref<128xi32, #tpu.memory_space<vmem>>) semaphore(%arg12 : memref<!tpu.dma_semaphore, #tpu.memory_space<semaphore_mem>>)
      } else {
      }
      %add3A_50 = arith.constant 1 : i32
      %add3A_51 = arith.addi %mul3A_35, %add3A_50 : i32
      %lt3A_52 = arith.cmpi slt, %add3A_51, %select_n3A : i32
      %convert_element_type3A_53 = arith.extui %lt3A_52 : i1 to i32
      %cond3A_54 = arith.constant 0 : i32
      %cond3A_55 = arith.cmpi ne, %convert_element_type3A_53, %cond3A_54 : i32
      scf.if %cond3A_55 {
        %add3A_56 = arith.constant 1 : i32
        %add3A_57 = arith.addi %mul3A_35, %add3A_56 : i32
        %add3A_58 = arith.addi %add3A_57, %sub3A : i32
        %dma_wait3A = arith.constant 0 : i32
        %dma_wait3A_59 = tpu.memref_slice %arg5[%add3A_58, %dma_wait3A] : memref<79x128xi32, #tpu.memory_space<vmem>> -> memref<1x128xi32, #tpu.memory_space<vmem>>
        %dma_wait3A_60 = tpu.memref_squeeze %dma_wait3A_59 : memref<1x128xi32, #tpu.memory_space<vmem>> -> memref<128xi32, #tpu.memory_space<vmem>>
        %dma_wait3A_61 = arith.constant 0 : i32
        %dma_wait3A_62 = arith.constant 0 : i32
        %dma_wait3A_63 = tpu.memref_slice %arg10[%dma_wait3A_61, %dma_wait3A_62] : memref<10240x64xbf16, #tpu.memory_space<vmem_shared>> -> memref<10240x64xbf16, #tpu.memory_space<vmem_shared>>
        tpu.wait_indirect_dma semaphore(%arg13 : memref<!tpu.dma_semaphore, #tpu.memory_space<semaphore_mem>>) src(%dma_wait3A_63 : memref<10240x64xbf16, #tpu.memory_space<vmem_shared>>) dst(%arg8 : memref<128x64xbf16, #tpu.memory_space<vmem>>)
        %add3A_64 = arith.constant 1 : i32
        %add3A_65 = arith.addi %mul3A_35, %add3A_64 : i32
        %add3A_66 = arith.addi %add3A_65, %sub3A : i32
        "tpu.region"() ({
          %run_scoped3A_67 = tpu.sem_alloc : memref<!tpu.dma_semaphore, #tpu.memory_space<semaphore_mem>>
          %dma_start3A_68 = arith.constant 0 : i32
          %dma_start3A_69 = tpu.memref_slice %arg6[%add3A_66, %dma_start3A_68] : memref<79x128xi32, #tpu.memory_space<vmem>> -> memref<1x128xi32, #tpu.memory_space<vmem>>
          %dma_start3A_70 = tpu.memref_squeeze %dma_start3A_69 : memref<1x128xi32, #tpu.memory_space<vmem>> -> memref<128xi32, #tpu.memory_space<vmem>>
          %dma_start3A_71 = arith.constant 0 : i32
          %dma_start3A_72 = arith.constant 0 : i32
          %dma_start3A_73 = tpu.memref_slice %arg11[%dma_start3A_71, %dma_start3A_72] : memref<10240x64xbf16, #tpu.memory_space<vmem_shared>> -> memref<10240x64xbf16, #tpu.memory_space<vmem_shared>>
          tpu.enqueue_indirect_dma source(%arg8 : memref<128x64xbf16, #tpu.memory_space<vmem>>) target(%dma_start3A_73 : memref<10240x64xbf16, #tpu.memory_space<vmem_shared>>) offsets(%dma_start3A_70 : memref<128xi32, #tpu.memory_space<vmem>>) semaphore(%run_scoped3A_67 : memref<!tpu.dma_semaphore, #tpu.memory_space<semaphore_mem>>) {add = true}
          %dma_wait3A_74 = arith.constant 0 : i32
          %dma_wait3A_75 = tpu.memref_slice %arg6[%add3A_66, %dma_wait3A_74] : memref<79x128xi32, #tpu.memory_space<vmem>> -> memref<1x128xi32, #tpu.memory_space<vmem>>
          %dma_wait3A_76 = tpu.memref_squeeze %dma_wait3A_75 : memref<1x128xi32, #tpu.memory_space<vmem>> -> memref<128xi32, #tpu.memory_space<vmem>>
          %dma_wait3A_77 = arith.constant 0 : i32
          %dma_wait3A_78 = arith.constant 0 : i32
          %dma_wait3A_79 = tpu.memref_slice %arg11[%dma_wait3A_77, %dma_wait3A_78] : memref<10240x64xbf16, #tpu.memory_space<vmem_shared>> -> memref<10240x64xbf16, #tpu.memory_space<vmem_shared>>
          tpu.wait_indirect_dma semaphore(%run_scoped3A_67 : memref<!tpu.dma_semaphore, #tpu.memory_space<semaphore_mem>>) src(%arg8 : memref<128x64xbf16, #tpu.memory_space<vmem>>) dst(%dma_wait3A_79 : memref<10240x64xbf16, #tpu.memory_space<vmem_shared>>)
          tpu.yield
        }) : () -> ()
      } else {
      }
    }
    %scan3A_27 = arith.constant 40 : i32
    %barrier3A_28 = arith.constant 0 : index
    tpu.barrier barrier_id(%barrier3A_28)
    %mul3A_29 = arith.constant 640 : i32
    %mul3A_30 = arith.muli %arg1, %mul3A_29 : i32
    "tpu.region"() ({
      %run_scoped3A_33 = tpu.sem_alloc : memref<!tpu.dma_semaphore, #tpu.memory_space<semaphore_mem>>
      %dma_start3A_34 = arith.constant 0 : i32
      %dma_start3A_35 = tpu.memref_slice %arg11[%mul3A_30, %dma_start3A_34] : memref<10240x64xbf16, #tpu.memory_space<vmem_shared>> -> memref<640x64xbf16, #tpu.memory_space<vmem_shared>>
      %dma_start3A_36 = arith.constant 0 : i32
      %dma_start3A_37 = tpu.memref_slice %arg11[%mul3A_30, %dma_start3A_36] : memref<10240x64xbf16, #tpu.memory_space<vmem_shared>> -> memref<640x64xbf16, #tpu.memory_space<vmem_shared>>
      tpu.enqueue_dma source(%dma_start3A_37 : memref<640x64xbf16, #tpu.memory_space<vmem_shared>>) target(%arg9 : memref<640x64xbf16, #tpu.memory_space<vmem>>) target_semaphore(%run_scoped3A_33 : memref<!tpu.dma_semaphore, #tpu.memory_space<semaphore_mem>>)
      %dma_wait3A = arith.constant 0 : i32
      %dma_wait3A_38 = tpu.memref_slice %arg11[%mul3A_30, %dma_wait3A] : memref<10240x64xbf16, #tpu.memory_space<vmem_shared>> -> memref<640x64xbf16, #tpu.memory_space<vmem_shared>>
      %dma_wait3A_39 = arith.constant 0 : i32
      %dma_wait3A_40 = tpu.memref_slice %arg11[%mul3A_30, %dma_wait3A_39] : memref<10240x64xbf16, #tpu.memory_space<vmem_shared>> -> memref<640x64xbf16, #tpu.memory_space<vmem_shared>>
      tpu.wait_dma2 semaphore(%run_scoped3A_33 : memref<!tpu.dma_semaphore, #tpu.memory_space<semaphore_mem>>) src(%dma_wait3A_40 : memref<640x64xbf16, #tpu.memory_space<vmem_shared>>) dst(%arg9 : memref<640x64xbf16, #tpu.memory_space<vmem>>)
      tpu.yield
    }) : () -> ()
    %mul3A_31 = arith.constant 640 : i32
    %mul3A_32 = arith.muli %arg1, %mul3A_31 : i32
    "tpu.region"() ({
      %run_scoped3A_33 = tpu.sem_alloc : memref<!tpu.dma_semaphore, #tpu.memory_space<semaphore_mem>>
      %dma_start3A_34 = arith.constant 0 : i32
      %dma_start3A_35 = tpu.memref_slice %arg4[%arg0, %mul3A_32, %dma_start3A_34] : memref<2x10240x64xbf16, #tpu.memory_space<hbm>> -> memref<1x640x64xbf16, #tpu.memory_space<hbm>>
      %dma_start3A_36 = tpu.memref_squeeze %dma_start3A_35 : memref<1x640x64xbf16, #tpu.memory_space<hbm>> -> memref<640x64xbf16, #tpu.memory_space<hbm>>
      %dma_start3A_37 = arith.constant 0 : i32
      %dma_start3A_38 = tpu.memref_slice %arg4[%arg0, %mul3A_32, %dma_start3A_37] : memref<2x10240x64xbf16, #tpu.memory_space<hbm>> -> memref<1x640x64xbf16, #tpu.memory_space<hbm>>
      %dma_start3A_39 = tpu.memref_squeeze %dma_start3A_38 : memref<1x640x64xbf16, #tpu.memory_space<hbm>> -> memref<640x64xbf16, #tpu.memory_space<hbm>>
      tpu.enqueue_dma source(%arg9 : memref<640x64xbf16, #tpu.memory_space<vmem>>) target(%dma_start3A_39 : memref<640x64xbf16, #tpu.memory_space<hbm>>) target_semaphore(%run_scoped3A_33 : memref<!tpu.dma_semaphore, #tpu.memory_space<semaphore_mem>>)
      %dma_wait3A = arith.constant 0 : i32
      %dma_wait3A_40 = tpu.memref_slice %arg4[%arg0, %mul3A_32, %dma_wait3A] : memref<2x10240x64xbf16, #tpu.memory_space<hbm>> -> memref<1x640x64xbf16, #tpu.memory_space<hbm>>
      %dma_wait3A_41 = tpu.memref_squeeze %dma_wait3A_40 : memref<1x640x64xbf16, #tpu.memory_space<hbm>> -> memref<640x64xbf16, #tpu.memory_space<hbm>>
      %dma_wait3A_42 = arith.constant 0 : i32
      %dma_wait3A_43 = tpu.memref_slice %arg4[%arg0, %mul3A_32, %dma_wait3A_42] : memref<2x10240x64xbf16, #tpu.memory_space<hbm>> -> memref<1x640x64xbf16, #tpu.memory_space<hbm>>
      %dma_wait3A_44 = tpu.memref_squeeze %dma_wait3A_43 : memref<1x640x64xbf16, #tpu.memory_space<hbm>> -> memref<640x64xbf16, #tpu.memory_space<hbm>>
      tpu.wait_dma2 semaphore(%run_scoped3A_33 : memref<!tpu.dma_semaphore, #tpu.memory_space<semaphore_mem>>) src(%arg9 : memref<640x64xbf16, #tpu.memory_space<vmem>>) dst(%dma_wait3A_44 : memref<640x64xbf16, #tpu.memory_space<hbm>>)
      tpu.yield
    }) : () -> ()
    return
  }
}

module attributes {stable_mosaic.version = 14 : i64} {
  func.func @_mm1_body(%arg0: i32, %arg1: memref<2560x128xf32, #tpu.memory_space<vmem>>, %arg2: memref<128x64xf32, #tpu.memory_space<vmem>>, %arg3: memref<2560x1xf32, #tpu.memory_space<vmem>>, %arg4: memref<2560x1xf32, #tpu.memory_space<vmem>>, %arg5: memref<2560x64xbf16, #tpu.memory_space<vmem>>, %arg6: memref<2560x1xf32, #tpu.memory_space<vmem>>) attributes {dimension_semantics = [#tpu.dimension_semantics<arbitrary>], iteration_bounds = array<i64: 4>, scalar_prefetch = 0 : i64, scratch_operands = 0 : i64, tpu.core_type = #tpu.core_type<tc>, window_params = [{transform_indices = @transform_0, window_bounds = array<i64: 2560, 128>}, {pipeline_mode = #tpu.pipeline_mode<synchronous>, transform_indices = @transform_1, window_bounds = array<i64: 128, 64>}, {transform_indices = @transform_2, window_bounds = array<i64: 2560, 1>}, {transform_indices = @transform_3, window_bounds = array<i64: 2560, 1>}, {transform_indices = @transform_4, window_bounds = array<i64: 2560, 64>}, {transform_indices = @transform_5, window_bounds = array<i64: 2560, 1>}]} {
    %get3A = arith.constant 0 : index
    %get3A_0 = arith.constant 0 : index
    %get3A_1 = vector.load %arg3[%get3A, %get3A_0] : memref<2560x1xf32, #tpu.memory_space<vmem>>, vector<2560x1xf32>
    %add3A = arith.constant 1.000000e+00 : f32
    %add3A_2 = vector.broadcast %add3A : f32 to vector<2560x1xf32>
    %add3A_3 = arith.addf %add3A_2, %get3A_1 : vector<2560x1xf32>
    %get3A_4 = arith.constant 0 : index
    %get3A_5 = arith.constant 0 : index
    %get3A_6 = vector.load %arg4[%get3A_4, %get3A_5] : memref<2560x1xf32, #tpu.memory_space<vmem>>, vector<2560x1xf32>
    %add3A_7 = arith.addf %add3A_3, %get3A_6 : vector<2560x1xf32>
    %rsqrt3A = math.rsqrt %add3A_7 : vector<2560x1xf32>
    %get3A_8 = arith.constant 0 : index
    %get3A_9 = arith.constant 0 : index
    %get3A_10 = vector.load %arg1[%get3A_8, %get3A_9] : memref<2560x128xf32, #tpu.memory_space<vmem>>, vector<2560x128xf32>
    %get3A_11 = arith.constant 0 : index
    %get3A_12 = arith.constant 0 : index
    %get3A_13 = vector.load %arg2[%get3A_11, %get3A_12] : memref<128x64xf32, #tpu.memory_space<vmem>>, vector<128x64xf32>
    %dot_general3A = arith.constant dense<0.000000e+00> : vector<2560x64xf32>
    %dot_general3A_14 = tpu.matmul %get3A_10, %get3A_13, %dot_general3A {dimension_numbers = #tpu.dot_dimension_numbers<[1], [0], [0], [1], [0, 0, 1, 1], [], []>, precision = #tpu.contract_precision<fp32>, transpose_lhs_hint = false} : vector<2560x128xf32>, vector<128x64xf32>, vector<2560x64xf32> -> vector<2560x64xf32>
    %iota3A = tpu.iota {dimensions = array<i32: 0>} : vector<2560x1xi32>
    %mul3A = arith.constant 2560 : i32
    %mul3A_15 = arith.muli %arg0, %mul3A : i32
    %add3A_16 = vector.broadcast %mul3A_15 : i32 to vector<2560x1xi32>
    %add3A_17 = arith.addi %iota3A, %add3A_16 : vector<2560x1xi32>
    %lt3A = arith.constant 10000 : i32
    %lt3A_18 = vector.broadcast %lt3A : i32 to vector<2560x1xi32>
    %lt3A_19 = arith.cmpi slt, %add3A_17, %lt3A_18 : vector<2560x1xi32>
    %mul3A_20 = vector.broadcast %rsqrt3A : vector<2560x1xf32> to vector<2560x64xf32>
    %mul3A_21 = arith.mulf %mul3A_20, %dot_general3A_14 : vector<2560x64xf32>
    %jit3A = arith.constant 0.000000e+00 : f32
    %broadcast_in_dim3A = vector.shape_cast %lt3A_19 : vector<2560x1xi1> to vector<2560x1xi1>
    %broadcast_in_dim3A_22 = vector.broadcast %broadcast_in_dim3A : vector<2560x1xi1> to vector<2560x64xi1>
    %broadcast_in_dim3A_23 = vector.broadcast %jit3A : f32 to vector<2560x64xf32>
    %select_n3A = arith.select %broadcast_in_dim3A_22, %mul3A_21, %broadcast_in_dim3A_23 : vector<2560x64xi1>, vector<2560x64xf32>
    %convert_element_type3A = arith.truncf %select_n3A : vector<2560x64xf32> to vector<2560x64xbf16>
    %swap3A = arith.constant 0 : index
    %swap3A_24 = arith.constant 0 : index
    %swap3A_25 = vector.load %arg5[%swap3A, %swap3A_24] : memref<2560x64xbf16, #tpu.memory_space<vmem>>, vector<2560x64xbf16>
    tpu.vector_store %arg5[%swap3A, %swap3A_24], %convert_element_type3A {strides = array<i32>} : memref<2560x64xbf16, #tpu.memory_space<vmem>>, vector<2560x64xbf16>,
    %swap3A_26 = arith.constant 0 : index
    %swap3A_27 = arith.constant 0 : index
    %swap3A_28 = vector.load %arg6[%swap3A_26, %swap3A_27] : memref<2560x1xf32, #tpu.memory_space<vmem>>, vector<2560x1xf32>
    tpu.vector_store %arg6[%swap3A_26, %swap3A_27], %rsqrt3A {strides = array<i32>} : memref<2560x1xf32, #tpu.memory_space<vmem>>, vector<2560x1xf32>,
    return
  }
  func.func @transform_0(%arg0: i32) -> (i32, i32) {
    %c0_i32 = arith.constant 0 : i32
    %c0_i32_0 = arith.constant 0 : i32
    return %arg0, %c0_i32 : i32, i32
  }
  func.func @transform_1(%arg0: i32) -> (i32, i32) {
    %c0_i32 = arith.constant 0 : i32
    %c0_i32_0 = arith.constant 0 : i32
    %c0_i32_1 = arith.constant 0 : i32
    return %c0_i32, %c0_i32_0 : i32, i32
  }
  func.func @transform_2(%arg0: i32) -> (i32, i32) {
    %c0_i32 = arith.constant 0 : i32
    %c0_i32_0 = arith.constant 0 : i32
    return %arg0, %c0_i32 : i32, i32
  }
  func.func @transform_3(%arg0: i32) -> (i32, i32) {
    %c0_i32 = arith.constant 0 : i32
    %c0_i32_0 = arith.constant 0 : i32
    return %arg0, %c0_i32 : i32, i32
  }
  func.func @transform_4(%arg0: i32) -> (i32, i32) {
    %c0_i32 = arith.constant 0 : i32
    %c0_i32_0 = arith.constant 0 : i32
    return %arg0, %c0_i32 : i32, i32
  }
  func.func @transform_5(%arg0: i32) -> (i32, i32) {
    %c0_i32 = arith.constant 0 : i32
    %c0_i32_0 = arith.constant 0 : i32
    return %arg0, %c0_i32 : i32, i32
  }
}

module attributes {stable_mosaic.version = 14 : i64} {
  func.func @_mm2_body(%arg0: i32, %arg1: memref<2x2560x64xbf16, #tpu.memory_space<vmem>>, %arg2: memref<2560x64xbf16, #tpu.memory_space<vmem>>, %arg3: memref<2560x1xf32, #tpu.memory_space<vmem>>, %arg4: memref<1x64xf32, #tpu.memory_space<vmem>>, %arg5: memref<64x64xf32, #tpu.memory_space<vmem>>, %arg6: memref<2560x64xbf16, #tpu.memory_space<vmem>>) attributes {dimension_semantics = [#tpu.dimension_semantics<arbitrary>], iteration_bounds = array<i64: 4>, scalar_prefetch = 0 : i64, scratch_operands = 0 : i64, tpu.core_type = #tpu.core_type<tc>, window_params = [{transform_indices = @transform_0, window_bounds = array<i64: 2, 2560, 64>}, {transform_indices = @transform_1, window_bounds = array<i64: 2560, 64>}, {transform_indices = @transform_2, window_bounds = array<i64: 2560, 1>}, {pipeline_mode = #tpu.pipeline_mode<synchronous>, transform_indices = @transform_3, window_bounds = array<i64: 1, 64>}, {pipeline_mode = #tpu.pipeline_mode<synchronous>, transform_indices = @transform_4, window_bounds = array<i64: 64, 64>}, {transform_indices = @transform_5, window_bounds = array<i64: 2560, 64>}]} {
    %get3A = arith.constant 0 : index
    %get3A_0 = arith.constant 0 : index
    %get3A_1 = vector.load %arg3[%get3A, %get3A_0] : memref<2560x1xf32, #tpu.memory_space<vmem>>, vector<2560x1xf32>
    %get3A_2 = arith.constant 0 : index
    %get3A_3 = arith.constant 0 : index
    %get3A_4 = arith.constant 0 : index
    %get3A_5 = vector.load %arg1[%get3A_2, %get3A_3, %get3A_4] : memref<2x2560x64xbf16, #tpu.memory_space<vmem>>, vector<1x2560x64xbf16>
    %get3A_6 = vector.shape_cast %get3A_5 : vector<1x2560x64xbf16> to vector<2560x64xbf16>
    %convert_element_type3A = arith.extf %get3A_6 : vector<2560x64xbf16> to vector<2560x64xf32>
    %get3A_7 = arith.constant 1 : index
    %get3A_8 = arith.constant 0 : index
    %get3A_9 = arith.constant 0 : index
    %get3A_10 = vector.load %arg1[%get3A_7, %get3A_8, %get3A_9] : memref<2x2560x64xbf16, #tpu.memory_space<vmem>>, vector<1x2560x64xbf16>
    %get3A_11 = vector.shape_cast %get3A_10 : vector<1x2560x64xbf16> to vector<2560x64xbf16>
    %convert_element_type3A_12 = arith.extf %get3A_11 : vector<2560x64xbf16> to vector<2560x64xf32>
    %add3A = arith.addf %convert_element_type3A, %convert_element_type3A_12 : vector<2560x64xf32>
    %get3A_13 = arith.constant 0 : index
    %get3A_14 = arith.constant 0 : index
    %get3A_15 = vector.load %arg2[%get3A_13, %get3A_14] : memref<2560x64xbf16, #tpu.memory_space<vmem>>, vector<2560x64xbf16>
    %convert_element_type3A_16 = arith.extf %get3A_15 : vector<2560x64xbf16> to vector<2560x64xf32>
    %sub3A = arith.subf %add3A, %convert_element_type3A_16 : vector<2560x64xf32>
    %mul3A = vector.broadcast %get3A_1 : vector<2560x1xf32> to vector<2560x64xf32>
    %mul3A_17 = arith.mulf %mul3A, %sub3A : vector<2560x64xf32>
    %get3A_18 = arith.constant 0 : index
    %get3A_19 = arith.constant 0 : index
    %get3A_20 = vector.load %arg4[%get3A_18, %get3A_19] : memref<1x64xf32, #tpu.memory_space<vmem>>, vector<1x64xf32>
    %add3A_21 = vector.broadcast %get3A_20 : vector<1x64xf32> to vector<2560x64xf32>
    %add3A_22 = arith.addf %mul3A_17, %add3A_21 : vector<2560x64xf32>
    %max3A = arith.constant 0.000000e+00 : f32
    %max3A_23 = vector.broadcast %max3A : f32 to vector<2560x64xf32>
    %max3A_24 = arith.maximumf %add3A_22, %max3A_23 : vector<2560x64xf32>
    %get3A_25 = arith.constant 0 : index
    %get3A_26 = arith.constant 0 : index
    %get3A_27 = vector.load %arg5[%get3A_25, %get3A_26] : memref<64x64xf32, #tpu.memory_space<vmem>>, vector<64x64xf32>
    %dot_general3A = arith.constant dense<0.000000e+00> : vector<2560x64xf32>
    %dot_general3A_28 = tpu.matmul %max3A_24, %get3A_27, %dot_general3A {dimension_numbers = #tpu.dot_dimension_numbers<[1], [0], [0], [1], [0, 0, 1, 1], [], []>, precision = #tpu.contract_precision<fp32>, transpose_lhs_hint = false} : vector<2560x64xf32>, vector<64x64xf32>, vector<2560x64xf32> -> vector<2560x64xf32>
    %iota3A = tpu.iota {dimensions = array<i32: 0>} : vector<2560x1xi32>
    %mul3A_29 = arith.constant 2560 : i32
    %mul3A_30 = arith.muli %arg0, %mul3A_29 : i32
    %add3A_31 = vector.broadcast %mul3A_30 : i32 to vector<2560x1xi32>
    %add3A_32 = arith.addi %iota3A, %add3A_31 : vector<2560x1xi32>
    %lt3A = arith.constant 10000 : i32
    %lt3A_33 = vector.broadcast %lt3A : i32 to vector<2560x1xi32>
    %lt3A_34 = arith.cmpi slt, %add3A_32, %lt3A_33 : vector<2560x1xi32>
    %mul3A_35 = vector.broadcast %get3A_1 : vector<2560x1xf32> to vector<2560x64xf32>
    %mul3A_36 = arith.mulf %mul3A_35, %dot_general3A_28 : vector<2560x64xf32>
    %jit3A = arith.constant 0.000000e+00 : f32
    %broadcast_in_dim3A = vector.shape_cast %lt3A_34 : vector<2560x1xi1> to vector<2560x1xi1>
    %broadcast_in_dim3A_37 = vector.broadcast %broadcast_in_dim3A : vector<2560x1xi1> to vector<2560x64xi1>
    %broadcast_in_dim3A_38 = vector.broadcast %jit3A : f32 to vector<2560x64xf32>
    %select_n3A = arith.select %broadcast_in_dim3A_37, %mul3A_36, %broadcast_in_dim3A_38 : vector<2560x64xi1>, vector<2560x64xf32>
    %convert_element_type3A_39 = arith.truncf %select_n3A : vector<2560x64xf32> to vector<2560x64xbf16>
    %swap3A = arith.constant 0 : index
    %swap3A_40 = arith.constant 0 : index
    %swap3A_41 = vector.load %arg6[%swap3A, %swap3A_40] : memref<2560x64xbf16, #tpu.memory_space<vmem>>, vector<2560x64xbf16>
    tpu.vector_store %arg6[%swap3A, %swap3A_40], %convert_element_type3A_39 {strides = array<i32>} : memref<2560x64xbf16, #tpu.memory_space<vmem>>, vector<2560x64xbf16>,
    return
  }
  func.func @transform_0(%arg0: i32) -> (i32, i32, i32) {
    %c0_i32 = arith.constant 0 : i32
    %c0_i32_0 = arith.constant 0 : i32
    %c0_i32_1 = arith.constant 0 : i32
    return %c0_i32, %arg0, %c0_i32_0 : i32, i32, i32
  }
  func.func @transform_1(%arg0: i32) -> (i32, i32) {
    %c0_i32 = arith.constant 0 : i32
    %c0_i32_0 = arith.constant 0 : i32
    return %arg0, %c0_i32 : i32, i32
  }
  func.func @transform_2(%arg0: i32) -> (i32, i32) {
    %c0_i32 = arith.constant 0 : i32
    %c0_i32_0 = arith.constant 0 : i32
    return %arg0, %c0_i32 : i32, i32
  }
  func.func @transform_3(%arg0: i32) -> (i32, i32) {
    %c0_i32 = arith.constant 0 : i32
    %c0_i32_0 = arith.constant 0 : i32
    %c0_i32_1 = arith.constant 0 : i32
    return %c0_i32, %c0_i32_0 : i32, i32
  }
  func.func @transform_4(%arg0: i32) -> (i32, i32) {
    %c0_i32 = arith.constant 0 : i32
    %c0_i32_0 = arith.constant 0 : i32
    %c0_i32_1 = arith.constant 0 : i32
    return %c0_i32, %c0_i32_0 : i32, i32
  }
  func.func @transform_5(%arg0: i32) -> (i32, i32) {
    %c0_i32 = arith.constant 0 : i32
    %c0_i32_0 = arith.constant 0 : i32
    return %arg0, %c0_i32 : i32, i32
  }
}

module attributes {stable_mosaic.version = 14 : i64} {
  func.func @_fin_body(%arg0: i32, %arg1: memref<2x2560x64xbf16, #tpu.memory_space<vmem>>, %arg2: memref<2560x64xbf16, #tpu.memory_space<vmem>>, %arg3: memref<2560x1xf32, #tpu.memory_space<vmem>>, %arg4: memref<1x64xf32, #tpu.memory_space<vmem>>, %arg5: memref<64x2xf32, #tpu.memory_space<vmem>>, %arg6: memref<1x2xf32, #tpu.memory_space<vmem>>, %arg7: memref<1x2xf32, #tpu.memory_space<vmem>>, %arg8: memref<1x64xf32, #tpu.memory_space<vmem>>) attributes {dimension_semantics = [#tpu.dimension_semantics<arbitrary>], iteration_bounds = array<i64: 4>, scalar_prefetch = 0 : i64, scratch_operands = 1 : i64, tpu.core_type = #tpu.core_type<tc>, window_params = [{transform_indices = @transform_0, window_bounds = array<i64: 2, 2560, 64>}, {transform_indices = @transform_1, window_bounds = array<i64: 2560, 64>}, {transform_indices = @transform_2, window_bounds = array<i64: 2560, 1>}, {pipeline_mode = #tpu.pipeline_mode<synchronous>, transform_indices = @transform_3, window_bounds = array<i64: 1, 64>}, {pipeline_mode = #tpu.pipeline_mode<synchronous>, transform_indices = @transform_4, window_bounds = array<i64: 64, 2>}, {pipeline_mode = #tpu.pipeline_mode<synchronous>, transform_indices = @transform_5, window_bounds = array<i64: 1, 2>}, {pipeline_mode = #tpu.pipeline_mode<synchronous>, transform_indices = @transform_6, window_bounds = array<i64: 1, 2>}]} {
    %get3A = arith.constant 0 : index
    %get3A_0 = arith.constant 0 : index
    %get3A_1 = vector.load %arg3[%get3A, %get3A_0] : memref<2560x1xf32, #tpu.memory_space<vmem>>, vector<2560x1xf32>
    %get3A_2 = arith.constant 0 : index
    %get3A_3 = arith.constant 0 : index
    %get3A_4 = arith.constant 0 : index
    %get3A_5 = vector.load %arg1[%get3A_2, %get3A_3, %get3A_4] : memref<2x2560x64xbf16, #tpu.memory_space<vmem>>, vector<1x2560x64xbf16>
    %get3A_6 = vector.shape_cast %get3A_5 : vector<1x2560x64xbf16> to vector<2560x64xbf16>
    %convert_element_type3A = arith.extf %get3A_6 : vector<2560x64xbf16> to vector<2560x64xf32>
    %get3A_7 = arith.constant 1 : index
    %get3A_8 = arith.constant 0 : index
    %get3A_9 = arith.constant 0 : index
    %get3A_10 = vector.load %arg1[%get3A_7, %get3A_8, %get3A_9] : memref<2x2560x64xbf16, #tpu.memory_space<vmem>>, vector<1x2560x64xbf16>
    %get3A_11 = vector.shape_cast %get3A_10 : vector<1x2560x64xbf16> to vector<2560x64xbf16>
    %convert_element_type3A_12 = arith.extf %get3A_11 : vector<2560x64xbf16> to vector<2560x64xf32>
    %add3A = arith.addf %convert_element_type3A, %convert_element_type3A_12 : vector<2560x64xf32>
    %get3A_13 = arith.constant 0 : index
    %get3A_14 = arith.constant 0 : index
    %get3A_15 = vector.load %arg2[%get3A_13, %get3A_14] : memref<2560x64xbf16, #tpu.memory_space<vmem>>, vector<2560x64xbf16>
    %convert_element_type3A_16 = arith.extf %get3A_15 : vector<2560x64xbf16> to vector<2560x64xf32>
    %sub3A = arith.subf %add3A, %convert_element_type3A_16 : vector<2560x64xf32>
    %mul3A = vector.broadcast %get3A_1 : vector<2560x1xf32> to vector<2560x64xf32>
    %mul3A_17 = arith.mulf %mul3A, %sub3A : vector<2560x64xf32>
    %get3A_18 = arith.constant 0 : index
    %get3A_19 = arith.constant 0 : index
    %get3A_20 = vector.load %arg4[%get3A_18, %get3A_19] : memref<1x64xf32, #tpu.memory_space<vmem>>, vector<1x64xf32>
    %add3A_21 = vector.broadcast %get3A_20 : vector<1x64xf32> to vector<2560x64xf32>
    %add3A_22 = arith.addf %mul3A_17, %add3A_21 : vector<2560x64xf32>
    %max3A = arith.constant 0.000000e+00 : f32
    %max3A_23 = vector.broadcast %max3A : f32 to vector<2560x64xf32>
    %max3A_24 = arith.maximumf %add3A_22, %max3A_23 : vector<2560x64xf32>
    %iota3A = tpu.iota {dimensions = array<i32: 0>} : vector<2560x1xi32>
    %mul3A_25 = arith.constant 2560 : i32
    %mul3A_26 = arith.muli %arg0, %mul3A_25 : i32
    %add3A_27 = vector.broadcast %mul3A_26 : i32 to vector<2560x1xi32>
    %add3A_28 = arith.addi %iota3A, %add3A_27 : vector<2560x1xi32>
    %lt3A = arith.constant 10000 : i32
    %lt3A_29 = vector.broadcast %lt3A : i32 to vector<2560x1xi32>
    %lt3A_30 = arith.cmpi slt, %add3A_28, %lt3A_29 : vector<2560x1xi32>
    %jit3A = arith.constant 0.000000e+00 : f32
    %broadcast_in_dim3A = vector.shape_cast %lt3A_30 : vector<2560x1xi1> to vector<2560x1xi1>
    %broadcast_in_dim3A_31 = vector.broadcast %broadcast_in_dim3A : vector<2560x1xi1> to vector<2560x64xi1>
    %broadcast_in_dim3A_32 = vector.broadcast %jit3A : f32 to vector<2560x64xf32>
    %select_n3A = arith.select %broadcast_in_dim3A_31, %max3A_24, %broadcast_in_dim3A_32 : vector<2560x64xi1>, vector<2560x64xf32>
    %reduce_sum3A = arith.constant dense<0.000000e+00> : vector<64xf32>
    %reduce_sum3A_33 = vector.multi_reduction <add>, %select_n3A, %reduce_sum3A [0] : vector<2560x64xf32> to vector<64xf32>
    %broadcast_in_dim3A_34 = vector.shape_cast %reduce_sum3A_33 : vector<64xf32> to vector<1x64xf32>
    %eq3A = arith.constant 0 : i32
    %eq3A_35 = arith.cmpi eq, %arg0, %eq3A : i32
    %get3A_36 = arith.constant 0 : index
    %get3A_37 = arith.constant 0 : index
    %get3A_38 = vector.load %arg8[%get3A_36, %get3A_37] : memref<1x64xf32, #tpu.memory_space<vmem>>, vector<1x64xf32>
    %add3A_39 = arith.addf %get3A_38, %broadcast_in_dim3A_34 : vector<1x64xf32>
    %select_n3A_40 = arith.select %eq3A_35, %broadcast_in_dim3A_34, %add3A_39 : vector<1x64xf32>
    %swap3A = arith.constant 0 : index
    %swap3A_41 = arith.constant 0 : index
    %swap3A_42 = vector.load %arg8[%swap3A, %swap3A_41] : memref<1x64xf32, #tpu.memory_space<vmem>>, vector<1x64xf32>
    tpu.vector_store %arg8[%swap3A, %swap3A_41], %select_n3A_40 {strides = array<i32>} : memref<1x64xf32, #tpu.memory_space<vmem>>, vector<1x64xf32>,
    %eq3A_43 = arith.constant 3 : i32
    %eq3A_44 = arith.cmpi eq, %arg0, %eq3A_43 : i32
    %convert_element_type3A_45 = arith.extui %eq3A_44 : i1 to i32
    %cond3A = arith.constant 0 : i32
    %cond3A_46 = arith.cmpi ne, %convert_element_type3A_45, %cond3A : i32
    scf.if %cond3A_46 {
      %get3A_47 = arith.constant 0 : index
      %get3A_48 = arith.constant 0 : index
      %get3A_49 = vector.load %arg8[%get3A_47, %get3A_48] : memref<1x64xf32, #tpu.memory_space<vmem>>, vector<1x64xf32>
      %mul3A_50 = arith.constant 9.99999974E-5 : f32
      %mul3A_51 = vector.broadcast %mul3A_50 : f32 to vector<1x64xf32>
      %mul3A_52 = arith.mulf %get3A_49, %mul3A_51 : vector<1x64xf32>
      %get3A_53 = arith.constant 0 : index
      %get3A_54 = arith.constant 0 : index
      %get3A_55 = vector.load %arg5[%get3A_53, %get3A_54] : memref<64x2xf32, #tpu.memory_space<vmem>>, vector<64x2xf32>
      %dot_general3A = arith.constant dense<0.000000e+00> : vector<1x2xf32>
      %dot_general3A_56 = tpu.matmul %mul3A_52, %get3A_55, %dot_general3A {dimension_numbers = #tpu.dot_dimension_numbers<[1], [0], [0], [1], [0, 0, 1, 1], [], []>, precision = #tpu.contract_precision<fp32>, transpose_lhs_hint = false} : vector<1x64xf32>, vector<64x2xf32>, vector<1x2xf32> -> vector<1x2xf32>
      %get3A_57 = arith.constant 0 : index
      %get3A_58 = arith.constant 0 : index
      %get3A_59 = vector.load %arg6[%get3A_57, %get3A_58] : memref<1x2xf32, #tpu.memory_space<vmem>>, vector<1x2xf32>
      %add3A_60 = arith.addf %dot_general3A_56, %get3A_59 : vector<1x2xf32>
      %swap3A_61 = arith.constant 0 : index
      %swap3A_62 = arith.constant 0 : index
      %swap3A_63 = vector.load %arg7[%swap3A_61, %swap3A_62] : memref<1x2xf32, #tpu.memory_space<vmem>>, vector<1x2xf32>
      tpu.vector_store %arg7[%swap3A_61, %swap3A_62], %add3A_60 {strides = array<i32>} : memref<1x2xf32, #tpu.memory_space<vmem>>, vector<1x2xf32>,
    } else {
    }
    return
  }
  func.func @transform_0(%arg0: i32) -> (i32, i32, i32) {
    %c0_i32 = arith.constant 0 : i32
    %c0_i32_0 = arith.constant 0 : i32
    %c0_i32_1 = arith.constant 0 : i32
    return %c0_i32, %arg0, %c0_i32_0 : i32, i32, i32
  }
  func.func @transform_1(%arg0: i32) -> (i32, i32) {
    %c0_i32 = arith.constant 0 : i32
    %c0_i32_0 = arith.constant 0 : i32
    return %arg0, %c0_i32 : i32, i32
  }
  func.func @transform_2(%arg0: i32) -> (i32, i32) {
    %c0_i32 = arith.constant 0 : i32
    %c0_i32_0 = arith.constant 0 : i32
    return %arg0, %c0_i32 : i32, i32
  }
  func.func @transform_3(%arg0: i32) -> (i32, i32) {
    %c0_i32 = arith.constant 0 : i32
    %c0_i32_0 = arith.constant 0 : i32
    %c0_i32_1 = arith.constant 0 : i32
    return %c0_i32, %c0_i32_0 : i32, i32
  }
  func.func @transform_4(%arg0: i32) -> (i32, i32) {
    %c0_i32 = arith.constant 0 : i32
    %c0_i32_0 = arith.constant 0 : i32
    %c0_i32_1 = arith.constant 0 : i32
    return %c0_i32, %c0_i32_0 : i32, i32
  }
  func.func @transform_5(%arg0: i32) -> (i32, i32) {
    %c0_i32 = arith.constant 0 : i32
    %c0_i32_0 = arith.constant 0 : i32
    %c0_i32_1 = arith.constant 0 : i32
    return %c0_i32, %c0_i32_0 : i32, i32
  }
  func.func @transform_6(%arg0: i32) -> (i32, i32) {
    %c0_i32 = arith.constant 0 : i32
    %c0_i32_0 = arith.constant 0 : i32
    %c0_i32_1 = arith.constant 0 : i32
    return %c0_i32, %c0_i32_0 : i32, i32
  }
}

</mosaic_0001>

<sc_bundles>
// kernel: kernel.11.cloned.1.call-start
scs
__scs_entry_jumppad:
0x0: {  	(pc) =	sbr.rel $0x88, $3  }
0x1: {  	(tag) =	ssettag $0x0;
	lr =	simm.s32 $0x1  }
0x2: {  	[smem:$0x3F99] =	sst lr;
	_ =	strace $0xD0000000  }
0x3: {  	_ = 	snop  }
0x4: {  	_ = 	snop  }
0x5: {  	_ = 	snop  }
0x6: {  	_ = 	snop  }
0x7: {  	_ = 	snop  }
__scs_overlays_trampoline_lowered:
0x8: {  	[smem:$0x3FA8] =	sst s0  }
0x9: {  	[smem:$0x3FA9] =	sst s1  }
0xa: {  	[smem:$0x3FAA] =	sst s2  }
0xb: {  	[smem:$0x3FAB] =	sst s3  }
0xc: {  	[smem:$0x3FAC] =	sst s4  }
0xd: {  	[smem:$0x3FAD] =	sst s5  }
0xe: {  	[smem:$0x3FAE] =	sst s6  }
0xf: {  	[smem:$0x3FAF] =	sst s7  }
0x10: {  	[smem:$0x3FB0] =	sst s8  }
0x11: {  	[smem:$0x3FB1] =	sst s9;
	s0 =	simm.s32 @!p0 $0x0  }
0x12: {  	s1 =	sld [smem:$0x3F97];
	s0 =	simm.s32 @p0 $0x1  }
0x13: {  	[smem:$0x3FB2] =	sst s0;
	s0 =	simm.s32 @!p1 $0x0  }
0x14: {  	s2 =	sld [smem:$0x3F96];
	s0 =	simm.s32 @p1 $0x1  }
0x15: {  	[smem:$0x3FB3] =	sst s0;
	s0 =	simm.s32 @!p2 $0x0  }
0x16: {  	s3 =	sld [smem:$0x3FDB];
	s0 =	simm.s32 @p2 $0x1  }
0x17: {  	s4 =	simm.s32 $0x1BF5;
	[smem:$0x3FB5] =	sst s0  }
0x18: {  	s0 =	sld [smem:$0x3F98];
	_ =	swait.ge [sflag:s4], $0x0  }
0x19: {  	s7 =	sld [smem:$0x3F99]  }
0x1a: {  	s8 =	sadd.s32 $0xFFFFE003, lr  }
0x1b: {  	s9 =	sadd.s32 $0xFFFFFEF7, lr;
	s5 =	simm.s32 $0xFFFFFFFF;
	p2 =	slt.u32 s8, $0xFFFFF086  }
0x1c: {  	p1 =	slt.u32 s9, $0xF7A;
	s5 =	simm.s32 @!p2 $0x0  }
0x1d: {  	s5 =	simm.s32 @p1 $0x1;
	p0 =	seq.s32 s7, s2  }
0x1e: {  	s7 =	smul.u32 @!p0 $0xF7A, s2;
	p2 =	seq.s32 @!p0 s5, $0x0  }
0x1f: {  	s9 =	smul.u32 $0xF7A, s1;
	s8 =	simm.s32 @!p0 $0x1BF5;
	p2 =	por !p2, p0  }
0x20: {  	[sflag:s8] =	ssyncset.s32 @!p0 $0xFFFFF086;
	s6 =	sadd.s32 @!p0 s3, s7;
	s7 =	simm.s32 @!p0 $0x108  }
0x21: {  	s3 =	sadd.s32 s3, s9;
	s6 =	sadd.s32 @!p0 $0x88, s6;
	s7 =	simm.s32 @p2 $0x1082  }
0x22: {  	[simem:s7], [sflag:s8] =	dma.local @!p0 [hbm:s6], $0xF7A  }
0x23: {  	s9 =	sor.u32 $0xD0000000, s2;
	s6 =	simm.s32 $0x108;
	_ =	swait.ge @!p0 [sflag:s8], $0x0  }
0x24: {  	s3 =	sadd.s32 $0x88, s3;
	s6 =	simm.s32 @!p1 $0x1082;
	[sflag:s4] =	ssyncset.s32 $0xFFFFF086  }
0x25: {  	[simem:s6], [sflag:s4] =	dma.local [hbm:s3], $0xF7A  }
0x26: {  	[smem:$0x3F99] =	sst s1;
	(tag) =	ssettag s2;
	_ =	strace s9  }
0x27: {  	s1 =	sld [smem:$0x3FA9]  }
0x28: {  	s2 =	sld [smem:$0x3FAA]  }
0x29: {  	s4 =	sld [smem:$0x3FAC]  }
0x2a: {  	p0 =	seq.s32 s5, $0x0;
	s5 =	sld [smem:$0x3FAD]  }
0x2b: {  	s6 =	sld [smem:$0x3FAE]  }
0x2c: {  	s7 =	sld [smem:$0x3FAF]  }
0x2d: {  	s3 =	simm.s32 $0x108;
	s8 =	sld [smem:$0x3FB0]  }
0x2e: {  	s3 =	simm.s32 @!p0 $0x1082;
	s9 =	sld [smem:$0x3FB1]  }
0x2f: {  	lr =	sadd.s32 s0, s3;
	s0 =	sld [smem:$0x3FA8]  }
0x30: {  	s3 =	sld [smem:$0x3FAB]  }
0x31: {  	[smem:$0x3FB4] =	sst s10  }
0x32: {  	s10 =	sld [smem:$0x3FB2];
	_ =	sdelay $0x3  }
0x33: {  	p0 =	seq.s32 s10, $0x1;
	s10 =	sld [smem:$0x3FB4];
	_ =	sdelay $0x3  }
0x34: {  	[smem:$0x3FB4] =	sst s10  }
0x35: {  	s10 =	sld [smem:$0x3FB3];
	_ =	sdelay $0x3  }
0x36: {  	p1 =	seq.s32 s10, $0x1;
	s10 =	sld [smem:$0x3FB4];
	_ =	sdelay $0x3  }
0x37: {  	[smem:$0x3FB4] =	sst s10  }
0x38: {  	s10 =	sld [smem:$0x3FB5]  }
0x39: {  	_ = 	snop;
	(pc) =	sbr.ind lr, $3  }
0x3a: {  	_ = 	snop  }
0x3b: {  	_ = 	snop  }
0x3c: {  	p2 =	seq.s32 s10, $0x1;
	s10 =	sld [smem:$0x3FB4]  }
0x3d: {  	_ =	shalt  }
0x3e: {  	_ =	shalt  }
0x3f: {  	_ =	shalt  }
0x40: {  	_ =	shalt  }
0x41: {  	_ =	shalt  }
0x42: {  	_ =	shalt  }
0x43: {  	_ =	shalt  }
0x44: {  	_ =	shalt  }
0x45: {  	_ =	shalt  }
0x46: {  	_ =	shalt  }
0x47: {  	_ =	shalt  }
0x48: {  	_ =	shalt  }
0x49: {  	_ =	shalt  }
0x4a: {  	_ =	shalt  }
0x4b: {  	_ =	shalt  }
0x4c: {  	_ =	shalt  }
0x4d: {  	_ =	shalt  }
0x4e: {  	_ =	shalt  }
0x4f: {  	_ =	shalt  }
0x50: {  	_ =	shalt  }
0x51: {  	_ =	shalt  }
0x52: {  	_ =	shalt  }
0x53: {  	_ =	shalt  }
0x54: {  	_ =	shalt  }
0x55: {  	_ =	shalt  }
0x56: {  	_ =	shalt  }
0x57: {  	_ =	shalt  }
0x58: {  	_ =	shalt  }
0x59: {  	_ =	shalt  }
0x5a: {  	_ =	shalt  }
0x5b: {  	_ =	shalt  }
0x5c: {  	_ =	shalt  }
0x5d: {  	_ =	shalt  }
0x5e: {  	_ =	shalt  }
0x5f: {  	_ =	shalt  }
0x60: {  	_ =	shalt  }
0x61: {  	_ =	shalt  }
0x62: {  	_ =	shalt  }
0x63: {  	_ =	shalt  }
0x64: {  	_ =	shalt  }
0x65: {  	_ =	shalt  }
0x66: {  	_ =	shalt  }
0x67: {  	_ =	shalt  }
0x68: {  	_ =	shalt  }
0x69: {  	_ =	shalt  }
0x6a: {  	_ =	shalt  }
0x6b: {  	_ =	shalt  }
0x6c: {  	_ =	shalt  }
0x6d: {  	_ =	shalt  }
0x6e: {  	_ =	shalt  }
0x6f: {  	_ =	shalt  }
0x70: {  	_ =	shalt  }
0x71: {  	_ =	shalt  }
0x72: {  	_ =	shalt  }
0x73: {  	_ =	shalt  }
0x74: {  	_ =	shalt  }
0x75: {  	_ =	shalt  }
0x76: {  	_ =	shalt  }
0x77: {  	_ =	shalt  }
0x78: {  	_ =	shalt  }
0x79: {  	_ =	shalt  }
0x7a: {  	_ =	shalt  }
0x7b: {  	_ =	shalt  }
0x7c: {  	_ =	shalt  }
0x7d: {  	_ =	shalt  }
0x7e: {  	_ =	shalt  }
0x7f: {  	_ =	shalt  }
0x80: {  	_ =	shalt  }
0x81: {  	_ =	shalt  }
0x82: {  	_ =	shalt  }
0x83: {  	_ =	shalt  }
0x84: {  	_ =	shalt  }
0x85: {  	_ =	shalt  }
0x86: {  	_ =	shalt  }
0x87: {  	_ =	shalt  }
.Lfunc_end0:
.L_simem_size_0:
called_computation.1_lowered:
.L_overlay_start_0:
0x88: {  	s2 =	sld [smem:$0x3FD9]  }
0x89: {  	s3 =	sld [smem:$0x3FFE];
	_ =	sdelay $0x1  }
0x8a: {  	s1 =	srdreg.scid  }
0x8b: {  	s0 =	sand.u32 $0x1, s1  }
0x8c: {  	s16 =	sshll.u32 s0, $0xA;
	s2 =	sadd.s32 s3, s2  }
0x8d: {  	s2 =	sadd.s32 s2, s16  }
0x8e: {  	[smem:$0x3FC0] =	sst s2  }
0x8f: {  	_ = 	snop  }
0x90: {  	(tm) =	ssettm $0x1  }
0x91: {  	s17 =	sld [smem:$0x3FFB];
	_ =	sdelay $0x3  }
0x92: {  	_ =	strace s17  }
0x93: {  	s2 =	sld [smem:$0x3FFC];
	_ =	sdelay $0x3  }
0x94: {  	_ =	strace s2  }
0x95: {  	s2 =	sld [smem:$0x3FFD];
	_ =	sdelay $0x3  }
0x96: {  	_ =	strace s2  }
0x97: {  	_ =	strace $0x8FFFFFFF  }
0x98: {  	s18 =	sld [smem:$0x3FDB];
	_ =	sdelay $0x1  }
0x99: {  	s19 =	simm.s32 $_scs_section_size  }
0x9a: {  	s4 =	simm.s32 $_size__tile_overlayer_lowered;
	s5 =	simm.s32 $_tile_overlayer_lowered  }
0x9b: {  	s22 =	simm.s32 $0x1BFF;
	s21 =	sshll.u32 s5, $0x1;
	s2 =	sadd.s32 s19, s18  }
0x9c: {  	s6 =	simm.s32 $0x0;
	s20 =	sshll.u32 s4, $0x1;
	s4 =	sadd.s32 s21, s2  }
0x9d: {  	[timem:s6], [sflag:s22] =	dma.local [hbm:s4], s20  }
0x9e: {  	_ =	swait.ge [sflag:s22], s20  }
0x9f: {  	s3 =	ssub.s32 $0x0, s20;
	[sflag:s22] =	ssyncset.done $0x0  }
0xa0: {  	[sflag:s22] =	ssyncadd.s32 s3;
	_ =	sdelay $0x1  }
0xa1: {  	s23 =	simm.s32 $0x1B8B  }
0xa2: {  	_ =	swait.ge [sflag:s23], $0x1  }
0xa3: {  	[sflag:s23] =	ssyncset.done $0x0  }
0xa4: {  	s25 =	simm.s32 $0x1B8E;
	s24 =	sld [smem:$0x3FFE];
	[sflag:s23] =	ssyncadd.s32 $0xFFFFFFFF  }
0xa5: {  	s26 =	simm.s32 $execute0_lowered;
	[smem:$0x3FD2] =	sst s25  }
0xa6: {  	s4 =	sshll.u32 s26, $0x1;
	_ =	strace $0x80000049;
	[dreg:$0x1] =	wrdreg $0xFFFFFFFF  }
0xa7: {  	s28 =	simm.s32 $_size_execute0_lowered;
	s2 =	sadd.s32 s2, s4;
	[dreg:$0x0] =	wrdreg $0x0  }
0xa8: {  	s4 =	sshll.u32 s28, $0x1;
	[dreg:$0x2] =	wrdreg s2  }
0xa9: {  	[dreg:$0x3] =	wrdreg s4  }
0xaa: {  	[dreg:$0x4] =	wrdreg $0xC0  }
0xab: {  	_ =	task [dreg:s6], $0x5FFFF  }
0xac: {  	[dreg:$0x1] =	wrdreg $0xFFFFFFFF  }
0xad: {  	[dreg:$0x0] =	wrdreg $0x60  }
0xae: {  	[dreg:$0x2] =	wrdreg s24  }
0xaf: {  	[dreg:$0x3] =	wrdreg $0xBF000  }
0xb0: {  	[dreg:$0x4] =	wrdreg $0x10F000  }
0xb1: {  	[dreg:$0x5] =	wrdreg $0x9  }
0xb2: {  	_ =	task.clear_ibuf [dreg:s6], $0x6FFFF;
	_ =	strace $0x90000049  }
0xb3: {  	s29 =	simm.s32 $0x9;
	_ =	strace $0x8000004B  }
0xb4: {  	_ =	swait.ge [sflag:s29], $0x1  }
0xb5: {  	[sflag:s29] =	ssyncadd.s32 $0xFFFFFFFF  }
0xb6: {  	_ =	strace $0x9000004B  }
0xb7: {  	_ =	sfence  }
0xb8: {  	s30 =	sld [smem:$0x0];
	_ =	sdelay $0x2  }
0xb9: {  	s31 =	sshll.u32 s1, $0xD;
	s1 =	sshrl.u32 s1, $0x2  }
0xba: {  	s3 =	sand.u32 $0x4000, s31;
	s1 =	sadd.s32 s1, s30  }
0xbb: {  	s0 =	sor.u32 s3, s0;
	s1 =	sshll.u32 s1, $0x11  }
0xbc: {  	s0 =	sor.u32 s1, s0  }
0xbd: {  	s0 =	sadd.s32 $0x8F2B, s0  }
0xbe: {  	[sflag:s0] =	ssyncadd.remote.s32 $0x1  }
0xbf: {  	_ =	sfence.sel $0xFFFF  }
0xc0: {  	[dreg:$0x0] =	wrdreg $0xFFFFFFFF;
	(pc) =	sbr.abs _section_cstart, $3  }
0xc1: {  	[dreg:$0x1] =	wrdreg $0xFFFFFFFF  }
0xc2: {  	_ =	task.clear_ibuf [dreg:s6], $0x2FFFF;
	_ =	strace $0x9FFFFFFF  }
0xc3: {  	(tm) =	ssettm $0x7FFFFFFF  }
tec
execute0_lowered:
.L_overlay_start_1:
0x0: {  	(tag) =	ssettag $0x1  }
0x1: {  	s19 =	stileid.u32  }
0x2: {  	s7 =	smul.u32 $0xA000, s19  }
0x3: {  	s0 =	srdreg.scid;
	s26 =	smul.u32 $0x4E, s19  }
0x4: {  	s1 =	rddreg [dreg:$0x0];
	s6 =	sand.u32 $0x1, s0;
	s17 =	smul.u32 $0x9C00, s19  }
0x5: {  	s2 =	rddreg [dreg:$0x1];
	s8 =	smul.u32 $0xA0000, s6  }
0x6: {  	s3 =	rddreg [dreg:$0x2];
	s4 =	sshll.u32 s6, $0x4;
	s15 =	smul.u32 $0x9C000, s6  }
0x7: {  	s22 =	ssub.s32 $0x2, s6;
	s24 =	smul.u32 $0x4E0, s6;
	s25 =	sor.u32 s19, s4  }
0x8: {  	s4 =	simm.s32 $0x0;
	s20 =	sshrl.u32 s7, $0x4;
	s14 =	sshrl.u32 s22, $0x1  }
0x9: {  	s23 =	sshrl.u32 s7, $0x1;
	s5 =	smul.u32 $0x4E, s25;
	[smem:$0x7FF] =	sst s4  }
0xa: {  	s11 =	smin.u32 s25, $0x4;
	s8 =	sadd.s32 s7, s8;
	s12 =	sadd.s32 s20, s1  }
0xb: {  	p0 =	slt.u32 s25, $0x4;
	s14 =	ssub.s32 s22, s14;
	s7 =	sadd.s32 s23, s2  }
0xc: {  	s28 =	sadd.s32 s17, s15;
	s17 =	simm.s32 $0x6F00;
	s20 =	simm.s32 $0x80  }
0xd: {  	s22 =	simm.s32 $0x5F00;
	_ =	strace $0x8000004A;
	s8 =	sshrl.u32 s8, $0x4  }
0xe: {  	s6 =	sadd.s32 $0x15E00, s12;
	s18 =	sor.u32 s24, s11;
	s24 =	simm.s32 $0x4  }
0xf: {  	s9 =	sadd.s32 s11, s5;
	s5 =	simm.s32 $0x4F;
	s12 =	sadd.s32 s26, s18  }
0x10: {  	s11 =	sshll.u32 s11, $0x9;
	s18 =	simm.s32 $0x3;
	s26 =	simm.s32 $0x0  }
0x11: {  	s10 =	smin.u32 s9, $0x975;
	s5 =	simm.s32 @!p0 $0x4E;
	s12 =	smin.u32 s12, $0x975  }
0x12: {  	p0 =	sgt.u32 s25, $0x3;
	s25 =	simm.s32 $0x2;
	s21 =	sshll.u32 s10, $0x4  }
0x13: {  	s16 =	ssub.s32 s9, s10;
	s30 =	sshll.u32 s12, $0x9;
	s13 =	sadd.s32 s21, s1  }
0x14: {  	s1 =	sadd.s32 s8, s1;
	s8 =	sadd.s32 s23, s3;
	s29 =	sshll.u32 s16, $0x9  }
0x15: {  	s9 =	sadd.s32 $0x2400, s13;
	s10 =	sadd.s32 $0xC040, s13;
	s13 =	sadd.s32 s11, s28  }
0x16: {  	s21 =	simm.s32 $0x4F00;
	s23 =	simm.s32 $0x1;
	s31 =	ssub.s32 s13, s30  }
0x17: {  	s11 =	sshra.s32 s29, $0x2;
	s12 =	sadd.s32 $0x1FE00, s1;
	s15 =	sshra.s32 s31, $0x2  }
0x18: {  	s13 =	smax.u32 s14, $0x1;
	s14 =	sadd.s32 $0x4E80, s11;
	s16 =	sadd.s32 $0x2780, s15  }
.LBB2_1:
0x19: {  	[tilespmem:s17], [sflag:$0x3] =	stream.linear.gather [hbm4b:s6+s4], $0x5000, $0x38;
	[tilespmem:$0x15F00] =	vst v63  }
0x1a: {  	_ =	swait.ge [sflag:s18], $0x5000  }
0x1b: {  	[sflag:s18] =	ssyncset.done $0x0  }
0x1c: {  	[sflag:s18] =	ssyncadd.s32 $0xFFFFB000  }
0x1d: {  	[spmem:s7] =	stream.linear.scatter [tilespmem:s17], [sflag:$0x3], $0x5000, $0x38;
	[tilespmem:$0x15F00] =	vst v63  }
0x1e: {  	_ =	swait.ge [sflag:s18], $0x5000  }
0x1f: {  	[sflag:s18] =	ssyncset.done $0x0  }
0x20: {  	[sflag:s18] =	ssyncadd.s32 $0xFFFFB000  }
0x21: {  	[spmem:s8] =	stream.linear.scatter [tilespmem:s17], [sflag:$0x3], $0x5000, $0x38;
	[tilespmem:$0x15F00] =	vst v63  }
0x22: {  	_ =	swait.ge [sflag:s18], $0x5000  }
0x23: {  	[sflag:s18] =	ssyncset.done $0x0  }
0x24: {  	[sflag:s18] =	ssyncadd.s32 $0xFFFFB000  }
0x25: {  	[tilespmem:s4], [sflag:$0x3] =	stream.linear.gather [hbm4b:s9+s4], $0x2780, $0x38;
	[tilespmem:$0x15F00] =	vst v63  }
0x26: {  	_ =	swait.ge [sflag:s18], $0x2780  }
0x27: {  	[sflag:s18] =	ssyncset.done $0x0  }
0x28: {  	s0 =	simm.s32 $0x2780;
	[sflag:s18] =	ssyncadd.s32 $0xFFFFD880  }
0x29: {  	[tilespmem:s0], [sflag:$0x3] =	stream.linear.gather [hbm4b:s10+s4], $0x2780, $0x38;
	[tilespmem:$0x15F00] =	vst v63  }
0x2a: {  	_ =	swait.ge [sflag:s18], $0x2780  }
0x2b: {  	[sflag:s18] =	ssyncset.done $0x0  }
0x2c: {  	[sflag:s18] =	ssyncadd.s32 $0xFFFFD880  }
0x2d: {  	s1 =	sadd.s32 $0x0, s15;
	[bflag:$0x0] =	sbarrier.arrive $0xFFFF  }
0x2e: {  	[tilespmem:s21], [sflag:$0x1] =	stream.indirect.gather [spmem:s2], $0x20, s11, s20, $0xb8;
	[tilespmem:$0x15F00] =	vst v63  }
0x2f: {  	s1 =	sadd.s32 $0x80, s1  }
0x30: {  	[tilespmem:s22], [sflag:$0x2] =	stream.indirect.gather [spmem:s2], $0x20, s1, s20, $0xb8;
	[tilespmem:$0x15F00] =	vst v63  }
0x31: {  	_ =	swait.ge [sflag:s23], $0x1000  }
0x32: {  	[sflag:s23] =	ssyncset.done $0x0  }
0x33: {  	s19 =	sadd.s32 $0x0, s16;
	[sflag:s23] =	ssyncadd.s32 $0xFFFFF000  }
0x34: {  	[spmem:s3] =	stream.indirect.scatter.add.bf16 [tilespmem:s21], [sflag:$0x4], $0x20, s19, s20, $0xb8;
	[tilespmem:$0x15F00] =	vst v63  }
0x35: {  	p1 =	sle.u32 s5, $0x2;
	_ =	swait.ge [sflag:s24], $0x1000  }
0x36: {  	s28 =	sadd.s32 @!p1 $0x0, s15;
	s29 =	simm.s32 @!p1 $0x4F00;
	[sflag:s24] =	ssyncset.done $0x0  }
0x37: {  	s30 =	simm.s32 @!p1 $0x80;
	s28 =	sadd.s32 @!p1 $0x100, s28;
	[sflag:s24] =	ssyncadd.s32 $0xFFFFF000  }
0x38: {  	[tilespmem:s29], [sflag:$0x1] =	stream.indirect.gather @!p1 [spmem:s2], $0x20, s28, s30, $0xb8;
	[tilespmem:$0x15F00] =	vst v63  }
0x39: {  	_ =	swait.ge [sflag:s25], $0x1000  }
0x3a: {  	[sflag:s25] =	ssyncset.done $0x0  }
0x3b: {  	s31 =	simm.s32 $0x100;
	s1 =	sadd.s32 $0x80, s19;
	[sflag:s25] =	ssyncadd.s32 $0xFFFFF000  }
0x3c: {  	[spmem:s3] =	stream.indirect.scatter.add.bf16 [tilespmem:s22], [sflag:$0x3], $0x20, s1, s20, $0xb8;
	[tilespmem:$0x15F00] =	vst v63  }
0x3d: {  	s28 =	simm.s32 $0x400;
	s30 =	simm.s32 $0x800;
	_ =	swait.ge [sflag:s18], $0x1000  }
0x3e: {  	s29 =	simm.s32 $0x4;
	s1 =	sadd.s32 $0x100, s15;
	[sflag:s18] =	ssyncset.done $0x0  }
.LBB2_2:
0x3f: {  	s1 =	sadd.s32 $0x80, s1  }
0x40: {  	[sflag:s18] =	ssyncadd.s32 $0xFFFFF000;
	s0 =	smov.u32 s30;
	s30 =	sadd.s32 $0x400, s30  }
0x41: {  	[tilespmem:s22], [sflag:$0x2] =	stream.indirect.gather [spmem:s2], $0x20, s1, s20, $0xb8;
	[tilespmem:$0x15F00] =	vst v63  }
0x42: {  	p1 =	sne.s32 s30, $0x9C00;
	_ =	swait.ge [sflag:s23], $0x1000  }
0x43: {  	[sflag:s23] =	ssyncset.done $0x0  }
0x44: {  	p2 =	sge.u32 s29, s5;
	s1 =	sadd.s32 s31, s16;
	[sflag:s23] =	ssyncadd.s32 $0xFFFFF000  }
0x45: {  	[spmem:s3] =	stream.indirect.scatter.add.bf16 [tilespmem:s21], [sflag:$0x4], $0x20, s1, s20, $0xb8;
	[tilespmem:$0x15F00] =	vst v63  }
0x46: {  	s31 =	sshra.s32 @!p2 s28, $0x2;
	s28 =	smov.u32 s0;
	_ =	swait.ge [sflag:s24], $0x1000  }
0x47: {  	s0 =	sadd.s32 @!p2 s31, s15;
	s31 =	simm.s32 @!p2 $0x4F00;
	[sflag:s24] =	ssyncset.done $0x0  }
0x48: {  	s19 =	simm.s32 @!p2 $0x80;
	s0 =	sadd.s32 @!p2 $0x100, s0;
	[sflag:s24] =	ssyncadd.s32 $0xFFFFF000  }
0x49: {  	[tilespmem:s31], [sflag:$0x1] =	stream.indirect.gather @!p2 [spmem:s2], $0x20, s0, s19, $0xb8;
	[tilespmem:$0x15F00] =	vst v63  }
0x4a: {  	_ =	swait.ge [sflag:s25], $0x1000  }
.Ltmp0:
0x4b: {  	[sflag:s25] =	ssyncset.done $0x0;
	(pc) =	sbr.rel @p1 .LBB2_2-.Ltmp0, $4  }
0x4c: {  	s0 =	sadd.s32 $0x80, s1;
	[sflag:s25] =	ssyncadd.s32 $0xFFFFF000  }
0x4d: {  	[spmem:s3] =	stream.indirect.scatter.add.bf16 [tilespmem:s22], [sflag:$0x3], $0x20, s0, s20, $0xb8;
	[tilespmem:$0x15F00] =	vst v63  }
0x4e: {  	s31 =	sshra.s32 s28, $0x2;
	_ =	swait.ge [sflag:s18], $0x1000  }
0x4f: {  	s29 =	sadd.s32 $0x2, s29;
	s1 =	sadd.s32 s31, s15;
	[sflag:s18] =	ssyncset.done $0x0  }
0x50: {  	s0 =	sadd.s32 $0x80, s1;
	[sflag:s18] =	ssyncadd.s32 $0xFFFFF000  }
0x51: {  	[tilespmem:s22], [sflag:$0x2] =	stream.indirect.gather [spmem:s2], $0x20, s0, s20, $0xb8;
	[tilespmem:$0x15F00] =	vst v63  }
0x52: {  	_ =	swait.ge [sflag:s23], $0x1000  }
0x53: {  	[sflag:s23] =	ssyncset.done $0x0  }
0x54: {  	s31 =	sadd.s32 s31, s16;
	p1 =	sge.u32 s29, s5;
	[sflag:s23] =	ssyncadd.s32 $0xFFFFF000  }
0x55: {  	[spmem:s3] =	stream.indirect.scatter.add.bf16 [tilespmem:s21], [sflag:$0x4], $0x20, s31, s20, $0xb8;
	[tilespmem:$0x15F00] =	vst v63  }
0x56: {  	s1 =	sshra.s32 @!p1 s28, $0x2;
	_ =	swait.ge [sflag:s24], $0x1000  }
0x57: {  	s19 =	simm.s32 @!p1 $0x4F00;
	s1 =	sadd.s32 @!p1 s1, s15;
	[sflag:s24] =	ssyncset.done $0x0  }
0x58: {  	s28 =	simm.s32 @!p1 $0x80;
	s1 =	sadd.s32 @!p1 $0x100, s1;
	[sflag:s24] =	ssyncadd.s32 $0xFFFFF000  }
0x59: {  	[tilespmem:s19], [sflag:$0x1] =	stream.indirect.gather @!p1 [spmem:s2], $0x20, s1, s28, $0xb8;
	[tilespmem:$0x15F00] =	vst v63  }
0x5a: {  	_ =	swait.ge [sflag:s25], $0x1000  }
0x5b: {  	[sflag:s25] =	ssyncset.done $0x0  }
0x5c: {  	s0 =	sadd.s32 $0x80, s31;
	[sflag:s25] =	ssyncadd.s32 $0xFFFFF000  }
0x5d: {  	[spmem:s3] =	stream.indirect.scatter.add.bf16 [tilespmem:s22], [sflag:$0x3], $0x20, s0, s20, $0xb8;
	[tilespmem:$0x15F00] =	vst v63  }
0x5e: {  	_ =	swait.ge [sflag:s18], $0x1000  }
0x5f: {  	[sflag:s18] =	ssyncset.done $0x0  }
0x60: {  	s0 =	simm.s32 @!p0 $0x1;
	[sflag:s18] =	ssyncadd.s32 $0xFFFFF000  }
0x61: {  	_ =	swait.ge @!p0 [sflag:s0], $0x1000  }
0x62: {  	[sflag:s0] =	ssyncset.done @!p0 $0x0  }
0x63: {  	s1 =	simm.s32 @!p0 $0x4F00;
	[sflag:s0] =	ssyncadd.s32 @!p0 $0xFFFFF000;
	s0 =	simm.s32 @!p0 $0x80  }
0x64: {  	[spmem:s3] =	stream.indirect.scatter.add.bf16 @!p0 [tilespmem:s1], [sflag:$0x4], $0x20, s14, s0, $0xb8;
	[tilespmem:$0x15F00] =	vst v63  }
0x65: {  	s0 =	simm.s32 @!p0 $0x4  }
0x66: {  	_ =	swait.ge @!p0 [sflag:s0], $0x1000  }
0x67: {  	[sflag:s0] =	ssyncset.done @!p0 $0x0  }
0x68: {  	[sflag:s0] =	ssyncadd.s32 @!p0 $0xFFFFF000  }
0x69: {  	[bflag:$0x0] =	sbarrier.arrive $0xFFFF  }
0x6a: {  	[tilespmem:s17], [sflag:$0x3] =	stream.linear.gather [spmem:s8], $0x5000, $0x38;
	[tilespmem:$0x15F00] =	vst v63  }
0x6b: {  	s26 =	sadd.s32 $0x1, s26;
	_ =	swait.ge [sflag:s18], $0x5000  }
0x6c: {  	p1 =	sne.s32 s26, s13;
	[sflag:s18] =	ssyncset.done $0x0  }
.Ltmp1:
0x6d: {  	[sflag:s18] =	ssyncadd.s32 $0xFFFFB000;
	(pc) =	sbr.rel @p1 .LBB2_1-.Ltmp1, $4  }
0x6e: {  	[hbm4b:s12+s4] =	stream.linear.scatter [tilespmem:s17], [sflag:$0x3], $0x5000, $0x38;
	[tilespmem:$0x15F00] =	vst v63  }
0x6f: {  	_ =	swait.ge [sflag:s18], $0x5000  }
0x70: {  	[sflag:s18] =	ssyncset.done $0x0  }
0x71: {  	[sflag:s18] =	ssyncadd.s32 $0xFFFFB000  }
0x72: {  	_ =	sfence.sel $0x180000  }
0x73: {  	[bflag:$0x0] =	sbarrier.arrive $0xFFFF  }
0x74: {  	_ =	strace $0x9000004A  }
0x75: {  	s0 =	stileid.u32;
	[bflag:$0x2] =	sbarrier.arrive $0xFFFF  }
0x76: {  	p0 =	sne.s32 s0, $0x0;
	s0 =	rddreg [dreg:$0x3]  }
0x77: {  	s0 =	sadd.s32 @!p0 $0x100000, s0  }
0x78: {  	[sflag:s0] =	ssyncadd.tile.s32 @!p0 $0x1;
	_ =	shalt  }
.Lfunc_end2:
_tile_overlayer_lowered:
.L_overlay_start_2:
0x79: {  	(tag) =	ssettag $0x2  }
0x7a: {  	s0 =	rddreg [dreg:$0x0];
	s2 =	stileid.u32  }
0x7b: {  	s1 =	rddreg [dreg:$0x1];
	p0 =	sne.s32 s2, $0x0  }
0x7c: {  	s3 =	rddreg [dreg:$0x2];
	[bflag:$0x3] =	sbarrier.arrive $0xFFFF;
	s2 =	simm.s32 @!p0 $0x1C03  }
0x7d: {  	[timem:s3], [sflag:s2] =	dma.local @!p0 [hbm:s0], s1  }
0x7e: {  	s0 =	simm.s32 @!p0 $0x3  }
0x7f: {  	_ =	swait.ge @!p0 [sflag:s0], s1  }
0x80: {  	s1 =	ssub.s32 @!p0 $0x0, s1;
	[sflag:s0] =	ssyncset.done @!p0 $0x0  }
0x81: {  	[sflag:s0] =	ssyncadd.s32 @!p0 s1  }
0x82: {  	[bflag:$0x3] =	sbarrier.arrive $0xFFFF  }
0x83: {  	_ =	shalt  }

// kernel: kernel.14.cloned.1.call-start
scs
__scs_entry_jumppad:
0x0: {  	(pc) =	sbr.rel $0x88, $3  }
0x1: {  	(tag) =	ssettag $0x0;
	lr =	simm.s32 $0x1  }
0x2: {  	[smem:$0x3F99] =	sst lr;
	_ =	strace $0xD0000000  }
0x3: {  	_ = 	snop  }
0x4: {  	_ = 	snop  }
0x5: {  	_ = 	snop  }
0x6: {  	_ = 	snop  }
0x7: {  	_ = 	snop  }
__scs_overlays_trampoline_lowered:
0x8: {  	[smem:$0x3FA8] =	sst s0  }
0x9: {  	[smem:$0x3FA9] =	sst s1  }
0xa: {  	[smem:$0x3FAA] =	sst s2  }
0xb: {  	[smem:$0x3FAB] =	sst s3  }
0xc: {  	[smem:$0x3FAC] =	sst s4  }
0xd: {  	[smem:$0x3FAD] =	sst s5  }
0xe: {  	[smem:$0x3FAE] =	sst s6  }
0xf: {  	[smem:$0x3FAF] =	sst s7  }
0x10: {  	[smem:$0x3FB0] =	sst s8  }
0x11: {  	[smem:$0x3FB1] =	sst s9;
	s0 =	simm.s32 @!p0 $0x0  }
0x12: {  	s1 =	sld [smem:$0x3F97];
	s0 =	simm.s32 @p0 $0x1  }
0x13: {  	[smem:$0x3FB2] =	sst s0;
	s0 =	simm.s32 @!p1 $0x0  }
0x14: {  	s2 =	sld [smem:$0x3F96];
	s0 =	simm.s32 @p1 $0x1  }
0x15: {  	[smem:$0x3FB3] =	sst s0;
	s0 =	simm.s32 @!p2 $0x0  }
0x16: {  	s3 =	sld [smem:$0x3FDB];
	s0 =	simm.s32 @p2 $0x1  }
0x17: {  	s4 =	simm.s32 $0x1BF5;
	[smem:$0x3FB5] =	sst s0  }
0x18: {  	s0 =	sld [smem:$0x3F98];
	_ =	swait.ge [sflag:s4], $0x0  }
0x19: {  	s7 =	sld [smem:$0x3F99]  }
0x1a: {  	s8 =	sadd.s32 $0xFFFFE003, lr  }
0x1b: {  	s9 =	sadd.s32 $0xFFFFFEF7, lr;
	s5 =	simm.s32 $0xFFFFFFFF;
	p2 =	slt.u32 s8, $0xFFFFF086  }
0x1c: {  	p1 =	slt.u32 s9, $0xF7A;
	s5 =	simm.s32 @!p2 $0x0  }
0x1d: {  	s5 =	simm.s32 @p1 $0x1;
	p0 =	seq.s32 s7, s2  }
0x1e: {  	s7 =	smul.u32 @!p0 $0xF7A, s2;
	p2 =	seq.s32 @!p0 s5, $0x0  }
0x1f: {  	s9 =	smul.u32 $0xF7A, s1;
	s8 =	simm.s32 @!p0 $0x1BF5;
	p2 =	por !p2, p0  }
0x20: {  	[sflag:s8] =	ssyncset.s32 @!p0 $0xFFFFF086;
	s6 =	sadd.s32 @!p0 s3, s7;
	s7 =	simm.s32 @!p0 $0x108  }
0x21: {  	s3 =	sadd.s32 s3, s9;
	s6 =	sadd.s32 @!p0 $0x88, s6;
	s7 =	simm.s32 @p2 $0x1082  }
0x22: {  	[simem:s7], [sflag:s8] =	dma.local @!p0 [hbm:s6], $0xF7A  }
0x23: {  	s9 =	sor.u32 $0xD0000000, s2;
	s6 =	simm.s32 $0x108;
	_ =	swait.ge @!p0 [sflag:s8], $0x0  }
0x24: {  	s3 =	sadd.s32 $0x88, s3;
	s6 =	simm.s32 @!p1 $0x1082;
	[sflag:s4] =	ssyncset.s32 $0xFFFFF086  }
0x25: {  	[simem:s6], [sflag:s4] =	dma.local [hbm:s3], $0xF7A  }
0x26: {  	[smem:$0x3F99] =	sst s1;
	(tag) =	ssettag s2;
	_ =	strace s9  }
0x27: {  	s1 =	sld [smem:$0x3FA9]  }
0x28: {  	s2 =	sld [smem:$0x3FAA]  }
0x29: {  	s4 =	sld [smem:$0x3FAC]  }
0x2a: {  	p0 =	seq.s32 s5, $0x0;
	s5 =	sld [smem:$0x3FAD]  }
0x2b: {  	s6 =	sld [smem:$0x3FAE]  }
0x2c: {  	s7 =	sld [smem:$0x3FAF]  }
0x2d: {  	s3 =	simm.s32 $0x108;
	s8 =	sld [smem:$0x3FB0]  }
0x2e: {  	s3 =	simm.s32 @!p0 $0x1082;
	s9 =	sld [smem:$0x3FB1]  }
0x2f: {  	lr =	sadd.s32 s0, s3;
	s0 =	sld [smem:$0x3FA8]  }
0x30: {  	s3 =	sld [smem:$0x3FAB]  }
0x31: {  	[smem:$0x3FB4] =	sst s10  }
0x32: {  	s10 =	sld [smem:$0x3FB2];
	_ =	sdelay $0x3  }
0x33: {  	p0 =	seq.s32 s10, $0x1;
	s10 =	sld [smem:$0x3FB4];
	_ =	sdelay $0x3  }
0x34: {  	[smem:$0x3FB4] =	sst s10  }
0x35: {  	s10 =	sld [smem:$0x3FB3];
	_ =	sdelay $0x3  }
0x36: {  	p1 =	seq.s32 s10, $0x1;
	s10 =	sld [smem:$0x3FB4];
	_ =	sdelay $0x3  }
0x37: {  	[smem:$0x3FB4] =	sst s10  }
0x38: {  	s10 =	sld [smem:$0x3FB5]  }
0x39: {  	_ = 	snop;
	(pc) =	sbr.ind lr, $3  }
0x3a: {  	_ = 	snop  }
0x3b: {  	_ = 	snop  }
0x3c: {  	p2 =	seq.s32 s10, $0x1;
	s10 =	sld [smem:$0x3FB4]  }
0x3d: {  	_ =	shalt  }
0x3e: {  	_ =	shalt  }
0x3f: {  	_ =	shalt  }
0x40: {  	_ =	shalt  }
0x41: {  	_ =	shalt  }
0x42: {  	_ =	shalt  }
0x43: {  	_ =	shalt  }
0x44: {  	_ =	shalt  }
0x45: {  	_ =	shalt  }
0x46: {  	_ =	shalt  }
0x47: {  	_ =	shalt  }
0x48: {  	_ =	shalt  }
0x49: {  	_ =	shalt  }
0x4a: {  	_ =	shalt  }
0x4b: {  	_ =	shalt  }
0x4c: {  	_ =	shalt  }
0x4d: {  	_ =	shalt  }
0x4e: {  	_ =	shalt  }
0x4f: {  	_ =	shalt  }
0x50: {  	_ =	shalt  }
0x51: {  	_ =	shalt  }
0x52: {  	_ =	shalt  }
0x53: {  	_ =	shalt  }
0x54: {  	_ =	shalt  }
0x55: {  	_ =	shalt  }
0x56: {  	_ =	shalt  }
0x57: {  	_ =	shalt  }
0x58: {  	_ =	shalt  }
0x59: {  	_ =	shalt  }
0x5a: {  	_ =	shalt  }
0x5b: {  	_ =	shalt  }
0x5c: {  	_ =	shalt  }
0x5d: {  	_ =	shalt  }
0x5e: {  	_ =	shalt  }
0x5f: {  	_ =	shalt  }
0x60: {  	_ =	shalt  }
0x61: {  	_ =	shalt  }
0x62: {  	_ =	shalt  }
0x63: {  	_ =	shalt  }
0x64: {  	_ =	shalt  }
0x65: {  	_ =	shalt  }
0x66: {  	_ =	shalt  }
0x67: {  	_ =	shalt  }
0x68: {  	_ =	shalt  }
0x69: {  	_ =	shalt  }
0x6a: {  	_ =	shalt  }
0x6b: {  	_ =	shalt  }
0x6c: {  	_ =	shalt  }
0x6d: {  	_ =	shalt  }
0x6e: {  	_ =	shalt  }
0x6f: {  	_ =	shalt  }
0x70: {  	_ =	shalt  }
0x71: {  	_ =	shalt  }
0x72: {  	_ =	shalt  }
0x73: {  	_ =	shalt  }
0x74: {  	_ =	shalt  }
0x75: {  	_ =	shalt  }
0x76: {  	_ =	shalt  }
0x77: {  	_ =	shalt  }
0x78: {  	_ =	shalt  }
0x79: {  	_ =	shalt  }
0x7a: {  	_ =	shalt  }
0x7b: {  	_ =	shalt  }
0x7c: {  	_ =	shalt  }
0x7d: {  	_ =	shalt  }
0x7e: {  	_ =	shalt  }
0x7f: {  	_ =	shalt  }
0x80: {  	_ =	shalt  }
0x81: {  	_ =	shalt  }
0x82: {  	_ =	shalt  }
0x83: {  	_ =	shalt  }
0x84: {  	_ =	shalt  }
0x85: {  	_ =	shalt  }
0x86: {  	_ =	shalt  }
0x87: {  	_ =	shalt  }
.Lfunc_end0:
.L_simem_size_0:
called_computation.2_lowered:
.L_overlay_start_0:
0x88: {  	s2 =	sld [smem:$0x3FD9]  }
0x89: {  	s3 =	sld [smem:$0x3FFE];
	_ =	sdelay $0x1  }
0x8a: {  	s1 =	srdreg.scid  }
0x8b: {  	s0 =	sand.u32 $0x1, s1  }
0x8c: {  	s16 =	sshll.u32 s0, $0xA;
	s2 =	sadd.s32 s3, s2  }
0x8d: {  	s2 =	sadd.s32 s2, s16  }
0x8e: {  	[smem:$0x3FC0] =	sst s2  }
0x8f: {  	_ = 	snop  }
0x90: {  	(tm) =	ssettm $0x1  }
0x91: {  	s17 =	sld [smem:$0x3FFB];
	_ =	sdelay $0x3  }
0x92: {  	_ =	strace s17  }
0x93: {  	s2 =	sld [smem:$0x3FFC];
	_ =	sdelay $0x3  }
0x94: {  	_ =	strace s2  }
0x95: {  	s2 =	sld [smem:$0x3FFD];
	_ =	sdelay $0x3  }
0x96: {  	_ =	strace s2  }
0x97: {  	_ =	strace $0x8FFFFFFF  }
0x98: {  	s18 =	sld [smem:$0x3FDB];
	_ =	sdelay $0x1  }
0x99: {  	s19 =	simm.s32 $_scs_section_size  }
0x9a: {  	s4 =	simm.s32 $_size__tile_overlayer_lowered;
	s5 =	simm.s32 $_tile_overlayer_lowered  }
0x9b: {  	s22 =	simm.s32 $0x1BFF;
	s21 =	sshll.u32 s5, $0x1;
	s2 =	sadd.s32 s19, s18  }
0x9c: {  	s6 =	simm.s32 $0x0;
	s20 =	sshll.u32 s4, $0x1;
	s4 =	sadd.s32 s21, s2  }
0x9d: {  	[timem:s6], [sflag:s22] =	dma.local [hbm:s4], s20  }
0x9e: {  	_ =	swait.ge [sflag:s22], s20  }
0x9f: {  	s3 =	ssub.s32 $0x0, s20;
	[sflag:s22] =	ssyncset.done $0x0  }
0xa0: {  	[sflag:s22] =	ssyncadd.s32 s3;
	_ =	sdelay $0x1  }
0xa1: {  	s23 =	simm.s32 $0x1B8B  }
0xa2: {  	_ =	swait.ge [sflag:s23], $0x1  }
0xa3: {  	[sflag:s23] =	ssyncset.done $0x0  }
0xa4: {  	s25 =	simm.s32 $0x1B8E;
	s24 =	sld [smem:$0x3FFE];
	[sflag:s23] =	ssyncadd.s32 $0xFFFFFFFF  }
0xa5: {  	s26 =	simm.s32 $execute0_lowered;
	[smem:$0x3FD2] =	sst s25  }
0xa6: {  	s4 =	sshll.u32 s26, $0x1;
	_ =	strace $0x8000004C;
	[dreg:$0x1] =	wrdreg $0xFFFFFFFF  }
0xa7: {  	s28 =	simm.s32 $_size_execute0_lowered;
	s2 =	sadd.s32 s2, s4;
	[dreg:$0x0] =	wrdreg $0x0  }
0xa8: {  	s4 =	sshll.u32 s28, $0x1;
	[dreg:$0x2] =	wrdreg s2  }
0xa9: {  	[dreg:$0x3] =	wrdreg s4  }
0xaa: {  	[dreg:$0x4] =	wrdreg $0xC0  }
0xab: {  	_ =	task [dreg:s6], $0x5FFFF  }
0xac: {  	[dreg:$0x1] =	wrdreg $0xFFFFFFFF  }
0xad: {  	[dreg:$0x0] =	wrdreg $0x60  }
0xae: {  	[dreg:$0x2] =	wrdreg s24  }
0xaf: {  	[dreg:$0x3] =	wrdreg $0xBF000  }
0xb0: {  	[dreg:$0x4] =	wrdreg $0x10F000  }
0xb1: {  	[dreg:$0x5] =	wrdreg $0x9  }
0xb2: {  	_ =	task.clear_ibuf [dreg:s6], $0x6FFFF;
	_ =	strace $0x9000004C  }
0xb3: {  	s29 =	simm.s32 $0x9;
	_ =	strace $0x8000004E  }
0xb4: {  	_ =	swait.ge [sflag:s29], $0x1  }
0xb5: {  	[sflag:s29] =	ssyncadd.s32 $0xFFFFFFFF  }
0xb6: {  	_ =	strace $0x9000004E  }
0xb7: {  	_ =	sfence  }
0xb8: {  	s30 =	sld [smem:$0x0];
	_ =	sdelay $0x2  }
0xb9: {  	s31 =	sshll.u32 s1, $0xD;
	s1 =	sshrl.u32 s1, $0x2  }
0xba: {  	s3 =	sand.u32 $0x4000, s31;
	s1 =	sadd.s32 s1, s30  }
0xbb: {  	s0 =	sor.u32 s3, s0;
	s1 =	sshll.u32 s1, $0x11  }
0xbc: {  	s0 =	sor.u32 s1, s0  }
0xbd: {  	s0 =	sadd.s32 $0x8F2B, s0  }
0xbe: {  	[sflag:s0] =	ssyncadd.remote.s32 $0x1  }
0xbf: {  	_ =	sfence.sel $0xFFFF  }
0xc0: {  	[dreg:$0x0] =	wrdreg $0xFFFFFFFF;
	(pc) =	sbr.abs _section_cstart, $3  }
0xc1: {  	[dreg:$0x1] =	wrdreg $0xFFFFFFFF  }
0xc2: {  	_ =	task.clear_ibuf [dreg:s6], $0x2FFFF;
	_ =	strace $0x9FFFFFFF  }
0xc3: {  	(tm) =	ssettm $0x7FFFFFFF  }
tec
execute0_lowered:
.L_overlay_start_1:
0x0: {  	(tag) =	ssettag $0x1  }
0x1: {  	s19 =	stileid.u32  }
0x2: {  	s7 =	smul.u32 $0xA000, s19  }
0x3: {  	s0 =	srdreg.scid;
	s26 =	smul.u32 $0x4E, s19  }
0x4: {  	s1 =	rddreg [dreg:$0x0];
	s6 =	sand.u32 $0x1, s0;
	s17 =	smul.u32 $0x9C00, s19  }
0x5: {  	s2 =	rddreg [dreg:$0x1];
	s8 =	smul.u32 $0xA0000, s6  }
0x6: {  	s3 =	rddreg [dreg:$0x2];
	s4 =	sshll.u32 s6, $0x4;
	s15 =	smul.u32 $0x9C000, s6  }
0x7: {  	s22 =	ssub.s32 $0x2, s6;
	s24 =	smul.u32 $0x4E0, s6;
	s25 =	sor.u32 s19, s4  }
0x8: {  	s4 =	simm.s32 $0x0;
	s20 =	sshrl.u32 s7, $0x4;
	s14 =	sshrl.u32 s22, $0x1  }
0x9: {  	s23 =	sshrl.u32 s7, $0x1;
	s5 =	smul.u32 $0x4E, s25;
	[smem:$0x7FF] =	sst s4  }
0xa: {  	s11 =	smin.u32 s25, $0x4;
	s8 =	sadd.s32 s7, s8;
	s12 =	sadd.s32 s20, s1  }
0xb: {  	p0 =	slt.u32 s25, $0x4;
	s14 =	ssub.s32 s22, s14;
	s7 =	sadd.s32 s23, s2  }
0xc: {  	s28 =	sadd.s32 s17, s15;
	s17 =	simm.s32 $0x6F00;
	s20 =	simm.s32 $0x80  }
0xd: {  	s22 =	simm.s32 $0x5F00;
	_ =	strace $0x8000004D;
	s8 =	sshrl.u32 s8, $0x4  }
0xe: {  	s6 =	sadd.s32 $0x15E00, s12;
	s18 =	sor.u32 s24, s11;
	s24 =	simm.s32 $0x4  }
0xf: {  	s9 =	sadd.s32 s11, s5;
	s5 =	simm.s32 $0x4F;
	s12 =	sadd.s32 s26, s18  }
0x10: {  	s11 =	sshll.u32 s11, $0x9;
	s18 =	simm.s32 $0x3;
	s26 =	simm.s32 $0x0  }
0x11: {  	s10 =	smin.u32 s9, $0x975;
	s5 =	simm.s32 @!p0 $0x4E;
	s12 =	smin.u32 s12, $0x975  }
0x12: {  	p0 =	sgt.u32 s25, $0x3;
	s25 =	simm.s32 $0x2;
	s21 =	sshll.u32 s10, $0x4  }
0x13: {  	s16 =	ssub.s32 s9, s10;
	s30 =	sshll.u32 s12, $0x9;
	s13 =	sadd.s32 s21, s1  }
0x14: {  	s1 =	sadd.s32 s8, s1;
	s8 =	sadd.s32 s23, s3;
	s29 =	sshll.u32 s16, $0x9  }
0x15: {  	s9 =	sadd.s32 $0x2400, s13;
	s10 =	sadd.s32 $0xC040, s13;
	s13 =	sadd.s32 s11, s28  }
0x16: {  	s21 =	simm.s32 $0x4F00;
	s23 =	simm.s32 $0x1;
	s31 =	ssub.s32 s13, s30  }
0x17: {  	s11 =	sshra.s32 s29, $0x2;
	s12 =	sadd.s32 $0x1FE00, s1;
	s15 =	sshra.s32 s31, $0x2  }
0x18: {  	s13 =	smax.u32 s14, $0x1;
	s14 =	sadd.s32 $0x4E80, s11;
	s16 =	sadd.s32 $0x2780, s15  }
.LBB2_1:
0x19: {  	[tilespmem:s17], [sflag:$0x3] =	stream.linear.gather [hbm4b:s6+s4], $0x5000, $0x38;
	[tilespmem:$0x15F00] =	vst v63  }
0x1a: {  	_ =	swait.ge [sflag:s18], $0x5000  }
0x1b: {  	[sflag:s18] =	ssyncset.done $0x0  }
0x1c: {  	[sflag:s18] =	ssyncadd.s32 $0xFFFFB000  }
0x1d: {  	[spmem:s7] =	stream.linear.scatter [tilespmem:s17], [sflag:$0x3], $0x5000, $0x38;
	[tilespmem:$0x15F00] =	vst v63  }
0x1e: {  	_ =	swait.ge [sflag:s18], $0x5000  }
0x1f: {  	[sflag:s18] =	ssyncset.done $0x0  }
0x20: {  	[sflag:s18] =	ssyncadd.s32 $0xFFFFB000  }
0x21: {  	[spmem:s8] =	stream.linear.scatter [tilespmem:s17], [sflag:$0x3], $0x5000, $0x38;
	[tilespmem:$0x15F00] =	vst v63  }
0x22: {  	_ =	swait.ge [sflag:s18], $0x5000  }
0x23: {  	[sflag:s18] =	ssyncset.done $0x0  }
0x24: {  	[sflag:s18] =	ssyncadd.s32 $0xFFFFB000  }
0x25: {  	[tilespmem:s4], [sflag:$0x3] =	stream.linear.gather [hbm4b:s9+s4], $0x2780, $0x38;
	[tilespmem:$0x15F00] =	vst v63  }
0x26: {  	_ =	swait.ge [sflag:s18], $0x2780  }
0x27: {  	[sflag:s18] =	ssyncset.done $0x0  }
0x28: {  	s0 =	simm.s32 $0x2780;
	[sflag:s18] =	ssyncadd.s32 $0xFFFFD880  }
0x29: {  	[tilespmem:s0], [sflag:$0x3] =	stream.linear.gather [hbm4b:s10+s4], $0x2780, $0x38;
	[tilespmem:$0x15F00] =	vst v63  }
0x2a: {  	_ =	swait.ge [sflag:s18], $0x2780  }
0x2b: {  	[sflag:s18] =	ssyncset.done $0x0  }
0x2c: {  	[sflag:s18] =	ssyncadd.s32 $0xFFFFD880  }
0x2d: {  	s1 =	sadd.s32 $0x0, s15;
	[bflag:$0x0] =	sbarrier.arrive $0xFFFF  }
0x2e: {  	[tilespmem:s21], [sflag:$0x1] =	stream.indirect.gather [spmem:s2], $0x20, s11, s20, $0xb8;
	[tilespmem:$0x15F00] =	vst v63  }
0x2f: {  	s1 =	sadd.s32 $0x80, s1  }
0x30: {  	[tilespmem:s22], [sflag:$0x2] =	stream.indirect.gather [spmem:s2], $0x20, s1, s20, $0xb8;
	[tilespmem:$0x15F00] =	vst v63  }
0x31: {  	_ =	swait.ge [sflag:s23], $0x1000  }
0x32: {  	[sflag:s23] =	ssyncset.done $0x0  }
0x33: {  	s19 =	sadd.s32 $0x0, s16;
	[sflag:s23] =	ssyncadd.s32 $0xFFFFF000  }
0x34: {  	[spmem:s3] =	stream.indirect.scatter.add.bf16 [tilespmem:s21], [sflag:$0x4], $0x20, s19, s20, $0xb8;
	[tilespmem:$0x15F00] =	vst v63  }
0x35: {  	p1 =	sle.u32 s5, $0x2;
	_ =	swait.ge [sflag:s24], $0x1000  }
0x36: {  	s28 =	sadd.s32 @!p1 $0x0, s15;
	s29 =	simm.s32 @!p1 $0x4F00;
	[sflag:s24] =	ssyncset.done $0x0  }
0x37: {  	s30 =	simm.s32 @!p1 $0x80;
	s28 =	sadd.s32 @!p1 $0x100, s28;
	[sflag:s24] =	ssyncadd.s32 $0xFFFFF000  }
0x38: {  	[tilespmem:s29], [sflag:$0x1] =	stream.indirect.gather @!p1 [spmem:s2], $0x20, s28, s30, $0xb8;
	[tilespmem:$0x15F00] =	vst v63  }
0x39: {  	_ =	swait.ge [sflag:s25], $0x1000  }
0x3a: {  	[sflag:s25] =	ssyncset.done $0x0  }
0x3b: {  	s31 =	simm.s32 $0x100;
	s1 =	sadd.s32 $0x80, s19;
	[sflag:s25] =	ssyncadd.s32 $0xFFFFF000  }
0x3c: {  	[spmem:s3] =	stream.indirect.scatter.add.bf16 [tilespmem:s22], [sflag:$0x3], $0x20, s1, s20, $0xb8;
	[tilespmem:$0x15F00] =	vst v63  }
0x3d: {  	s28 =	simm.s32 $0x400;
	s30 =	simm.s32 $0x800;
	_ =	swait.ge [sflag:s18], $0x1000  }
0x3e: {  	s29 =	simm.s32 $0x4;
	s1 =	sadd.s32 $0x100, s15;
	[sflag:s18] =	ssyncset.done $0x0  }
.LBB2_2:
0x3f: {  	s1 =	sadd.s32 $0x80, s1  }
0x40: {  	[sflag:s18] =	ssyncadd.s32 $0xFFFFF000;
	s0 =	smov.u32 s30;
	s30 =	sadd.s32 $0x400, s30  }
0x41: {  	[tilespmem:s22], [sflag:$0x2] =	stream.indirect.gather [spmem:s2], $0x20, s1, s20, $0xb8;
	[tilespmem:$0x15F00] =	vst v63  }
0x42: {  	p1 =	sne.s32 s30, $0x9C00;
	_ =	swait.ge [sflag:s23], $0x1000  }
0x43: {  	[sflag:s23] =	ssyncset.done $0x0  }
0x44: {  	p2 =	sge.u32 s29, s5;
	s1 =	sadd.s32 s31, s16;
	[sflag:s23] =	ssyncadd.s32 $0xFFFFF000  }
0x45: {  	[spmem:s3] =	stream.indirect.scatter.add.bf16 [tilespmem:s21], [sflag:$0x4], $0x20, s1, s20, $0xb8;
	[tilespmem:$0x15F00] =	vst v63  }
0x46: {  	s31 =	sshra.s32 @!p2 s28, $0x2;
	s28 =	smov.u32 s0;
	_ =	swait.ge [sflag:s24], $0x1000  }
0x47: {  	s0 =	sadd.s32 @!p2 s31, s15;
	s31 =	simm.s32 @!p2 $0x4F00;
	[sflag:s24] =	ssyncset.done $0x0  }
0x48: {  	s19 =	simm.s32 @!p2 $0x80;
	s0 =	sadd.s32 @!p2 $0x100, s0;
	[sflag:s24] =	ssyncadd.s32 $0xFFFFF000  }
0x49: {  	[tilespmem:s31], [sflag:$0x1] =	stream.indirect.gather @!p2 [spmem:s2], $0x20, s0, s19, $0xb8;
	[tilespmem:$0x15F00] =	vst v63  }
0x4a: {  	_ =	swait.ge [sflag:s25], $0x1000  }
.Ltmp0:
0x4b: {  	[sflag:s25] =	ssyncset.done $0x0;
	(pc) =	sbr.rel @p1 .LBB2_2-.Ltmp0, $4  }
0x4c: {  	s0 =	sadd.s32 $0x80, s1;
	[sflag:s25] =	ssyncadd.s32 $0xFFFFF000  }
0x4d: {  	[spmem:s3] =	stream.indirect.scatter.add.bf16 [tilespmem:s22], [sflag:$0x3], $0x20, s0, s20, $0xb8;
	[tilespmem:$0x15F00] =	vst v63  }
0x4e: {  	s31 =	sshra.s32 s28, $0x2;
	_ =	swait.ge [sflag:s18], $0x1000  }
0x4f: {  	s29 =	sadd.s32 $0x2, s29;
	s1 =	sadd.s32 s31, s15;
	[sflag:s18] =	ssyncset.done $0x0  }
0x50: {  	s0 =	sadd.s32 $0x80, s1;
	[sflag:s18] =	ssyncadd.s32 $0xFFFFF000  }
0x51: {  	[tilespmem:s22], [sflag:$0x2] =	stream.indirect.gather [spmem:s2], $0x20, s0, s20, $0xb8;
	[tilespmem:$0x15F00] =	vst v63  }
0x52: {  	_ =	swait.ge [sflag:s23], $0x1000  }
0x53: {  	[sflag:s23] =	ssyncset.done $0x0  }
0x54: {  	s31 =	sadd.s32 s31, s16;
	p1 =	sge.u32 s29, s5;
	[sflag:s23] =	ssyncadd.s32 $0xFFFFF000  }
0x55: {  	[spmem:s3] =	stream.indirect.scatter.add.bf16 [tilespmem:s21], [sflag:$0x4], $0x20, s31, s20, $0xb8;
	[tilespmem:$0x15F00] =	vst v63  }
0x56: {  	s1 =	sshra.s32 @!p1 s28, $0x2;
	_ =	swait.ge [sflag:s24], $0x1000  }
0x57: {  	s19 =	simm.s32 @!p1 $0x4F00;
	s1 =	sadd.s32 @!p1 s1, s15;
	[sflag:s24] =	ssyncset.done $0x0  }
0x58: {  	s28 =	simm.s32 @!p1 $0x80;
	s1 =	sadd.s32 @!p1 $0x100, s1;
	[sflag:s24] =	ssyncadd.s32 $0xFFFFF000  }
0x59: {  	[tilespmem:s19], [sflag:$0x1] =	stream.indirect.gather @!p1 [spmem:s2], $0x20, s1, s28, $0xb8;
	[tilespmem:$0x15F00] =	vst v63  }
0x5a: {  	_ =	swait.ge [sflag:s25], $0x1000  }
0x5b: {  	[sflag:s25] =	ssyncset.done $0x0  }
0x5c: {  	s0 =	sadd.s32 $0x80, s31;
	[sflag:s25] =	ssyncadd.s32 $0xFFFFF000  }
0x5d: {  	[spmem:s3] =	stream.indirect.scatter.add.bf16 [tilespmem:s22], [sflag:$0x3], $0x20, s0, s20, $0xb8;
	[tilespmem:$0x15F00] =	vst v63  }
0x5e: {  	_ =	swait.ge [sflag:s18], $0x1000  }
0x5f: {  	[sflag:s18] =	ssyncset.done $0x0  }
0x60: {  	s0 =	simm.s32 @!p0 $0x1;
	[sflag:s18] =	ssyncadd.s32 $0xFFFFF000  }
0x61: {  	_ =	swait.ge @!p0 [sflag:s0], $0x1000  }
0x62: {  	[sflag:s0] =	ssyncset.done @!p0 $0x0  }
0x63: {  	s1 =	simm.s32 @!p0 $0x4F00;
	[sflag:s0] =	ssyncadd.s32 @!p0 $0xFFFFF000;
	s0 =	simm.s32 @!p0 $0x80  }
0x64: {  	[spmem:s3] =	stream.indirect.scatter.add.bf16 @!p0 [tilespmem:s1], [sflag:$0x4], $0x20, s14, s0, $0xb8;
	[tilespmem:$0x15F00] =	vst v63  }
0x65: {  	s0 =	simm.s32 @!p0 $0x4  }
0x66: {  	_ =	swait.ge @!p0 [sflag:s0], $0x1000  }
0x67: {  	[sflag:s0] =	ssyncset.done @!p0 $0x0  }
0x68: {  	[sflag:s0] =	ssyncadd.s32 @!p0 $0xFFFFF000  }
0x69: {  	[bflag:$0x0] =	sbarrier.arrive $0xFFFF  }
0x6a: {  	[tilespmem:s17], [sflag:$0x3] =	stream.linear.gather [spmem:s8], $0x5000, $0x38;
	[tilespmem:$0x15F00] =	vst v63  }
0x6b: {  	s26 =	sadd.s32 $0x1, s26;
	_ =	swait.ge [sflag:s18], $0x5000  }
0x6c: {  	p1 =	sne.s32 s26, s13;
	[sflag:s18] =	ssyncset.done $0x0  }
.Ltmp1:
0x6d: {  	[sflag:s18] =	ssyncadd.s32 $0xFFFFB000;
	(pc) =	sbr.rel @p1 .LBB2_1-.Ltmp1, $4  }
0x6e: {  	[hbm4b:s12+s4] =	stream.linear.scatter [tilespmem:s17], [sflag:$0x3], $0x5000, $0x38;
	[tilespmem:$0x15F00] =	vst v63  }
0x6f: {  	_ =	swait.ge [sflag:s18], $0x5000  }
0x70: {  	[sflag:s18] =	ssyncset.done $0x0  }
0x71: {  	[sflag:s18] =	ssyncadd.s32 $0xFFFFB000  }
0x72: {  	_ =	sfence.sel $0x180000  }
0x73: {  	[bflag:$0x0] =	sbarrier.arrive $0xFFFF  }
0x74: {  	_ =	strace $0x9000004D  }
0x75: {  	s0 =	stileid.u32;
	[bflag:$0x2] =	sbarrier.arrive $0xFFFF  }
0x76: {  	p0 =	sne.s32 s0, $0x0;
	s0 =	rddreg [dreg:$0x3]  }
0x77: {  	s0 =	sadd.s32 @!p0 $0x100000, s0  }
0x78: {  	[sflag:s0] =	ssyncadd.tile.s32 @!p0 $0x1;
	_ =	shalt  }
.Lfunc_end2:
_tile_overlayer_lowered:
.L_overlay_start_2:
0x79: {  	(tag) =	ssettag $0x2  }
0x7a: {  	s0 =	rddreg [dreg:$0x0];
	s2 =	stileid.u32  }
0x7b: {  	s1 =	rddreg [dreg:$0x1];
	p0 =	sne.s32 s2, $0x0  }
0x7c: {  	s3 =	rddreg [dreg:$0x2];
	[bflag:$0x3] =	sbarrier.arrive $0xFFFF;
	s2 =	simm.s32 @!p0 $0x1C03  }
0x7d: {  	[timem:s3], [sflag:s2] =	dma.local @!p0 [hbm:s0], s1  }
0x7e: {  	s0 =	simm.s32 @!p0 $0x3  }
0x7f: {  	_ =	swait.ge @!p0 [sflag:s0], s1  }
0x80: {  	s1 =	ssub.s32 @!p0 $0x0, s1;
	[sflag:s0] =	ssyncset.done @!p0 $0x0  }
0x81: {  	[sflag:s0] =	ssyncadd.s32 @!p0 s1  }
0x82: {  	[bflag:$0x3] =	sbarrier.arrive $0xFFFF  }
0x83: {  	_ =	shalt  }

// kernel: kernel.8.cloned.1.call-start
scs
__scs_entry_jumppad:
0x0: {  	(pc) =	sbr.rel $0x88, $3  }
0x1: {  	(tag) =	ssettag $0x0;
	lr =	simm.s32 $0x1  }
0x2: {  	[smem:$0x3F99] =	sst lr;
	_ =	strace $0xD0000000  }
0x3: {  	_ = 	snop  }
0x4: {  	_ = 	snop  }
0x5: {  	_ = 	snop  }
0x6: {  	_ = 	snop  }
0x7: {  	_ = 	snop  }
__scs_overlays_trampoline_lowered:
0x8: {  	[smem:$0x3FA8] =	sst s0  }
0x9: {  	[smem:$0x3FA9] =	sst s1  }
0xa: {  	[smem:$0x3FAA] =	sst s2  }
0xb: {  	[smem:$0x3FAB] =	sst s3  }
0xc: {  	[smem:$0x3FAC] =	sst s4  }
0xd: {  	[smem:$0x3FAD] =	sst s5  }
0xe: {  	[smem:$0x3FAE] =	sst s6  }
0xf: {  	[smem:$0x3FAF] =	sst s7  }
0x10: {  	[smem:$0x3FB0] =	sst s8  }
0x11: {  	[smem:$0x3FB1] =	sst s9;
	s0 =	simm.s32 @!p0 $0x0  }
0x12: {  	s1 =	sld [smem:$0x3F97];
	s0 =	simm.s32 @p0 $0x1  }
0x13: {  	[smem:$0x3FB2] =	sst s0;
	s0 =	simm.s32 @!p1 $0x0  }
0x14: {  	s2 =	sld [smem:$0x3F96];
	s0 =	simm.s32 @p1 $0x1  }
0x15: {  	[smem:$0x3FB3] =	sst s0;
	s0 =	simm.s32 @!p2 $0x0  }
0x16: {  	s3 =	sld [smem:$0x3FDB];
	s0 =	simm.s32 @p2 $0x1  }
0x17: {  	s4 =	simm.s32 $0x1BF5;
	[smem:$0x3FB5] =	sst s0  }
0x18: {  	s0 =	sld [smem:$0x3F98];
	_ =	swait.ge [sflag:s4], $0x0  }
0x19: {  	s7 =	sld [smem:$0x3F99]  }
0x1a: {  	s8 =	sadd.s32 $0xFFFFE003, lr  }
0x1b: {  	s9 =	sadd.s32 $0xFFFFFEF7, lr;
	s5 =	simm.s32 $0xFFFFFFFF;
	p2 =	slt.u32 s8, $0xFFFFF086  }
0x1c: {  	p1 =	slt.u32 s9, $0xF7A;
	s5 =	simm.s32 @!p2 $0x0  }
0x1d: {  	s5 =	simm.s32 @p1 $0x1;
	p0 =	seq.s32 s7, s2  }
0x1e: {  	s7 =	smul.u32 @!p0 $0xF7A, s2;
	p2 =	seq.s32 @!p0 s5, $0x0  }
0x1f: {  	s9 =	smul.u32 $0xF7A, s1;
	s8 =	simm.s32 @!p0 $0x1BF5;
	p2 =	por !p2, p0  }
0x20: {  	[sflag:s8] =	ssyncset.s32 @!p0 $0xFFFFF086;
	s6 =	sadd.s32 @!p0 s3, s7;
	s7 =	simm.s32 @!p0 $0x108  }
0x21: {  	s3 =	sadd.s32 s3, s9;
	s6 =	sadd.s32 @!p0 $0x88, s6;
	s7 =	simm.s32 @p2 $0x1082  }
0x22: {  	[simem:s7], [sflag:s8] =	dma.local @!p0 [hbm:s6], $0xF7A  }
0x23: {  	s9 =	sor.u32 $0xD0000000, s2;
	s6 =	simm.s32 $0x108;
	_ =	swait.ge @!p0 [sflag:s8], $0x0  }
0x24: {  	s3 =	sadd.s32 $0x88, s3;
	s6 =	simm.s32 @!p1 $0x1082;
	[sflag:s4] =	ssyncset.s32 $0xFFFFF086  }
0x25: {  	[simem:s6], [sflag:s4] =	dma.local [hbm:s3], $0xF7A  }
0x26: {  	[smem:$0x3F99] =	sst s1;
	(tag) =	ssettag s2;
	_ =	strace s9  }
0x27: {  	s1 =	sld [smem:$0x3FA9]  }
0x28: {  	s2 =	sld [smem:$0x3FAA]  }
0x29: {  	s4 =	sld [smem:$0x3FAC]  }
0x2a: {  	p0 =	seq.s32 s5, $0x0;
	s5 =	sld [smem:$0x3FAD]  }
0x2b: {  	s6 =	sld [smem:$0x3FAE]  }
0x2c: {  	s7 =	sld [smem:$0x3FAF]  }
0x2d: {  	s3 =	simm.s32 $0x108;
	s8 =	sld [smem:$0x3FB0]  }
0x2e: {  	s3 =	simm.s32 @!p0 $0x1082;
	s9 =	sld [smem:$0x3FB1]  }
0x2f: {  	lr =	sadd.s32 s0, s3;
	s0 =	sld [smem:$0x3FA8]  }
0x30: {  	s3 =	sld [smem:$0x3FAB]  }
0x31: {  	[smem:$0x3FB4] =	sst s10  }
0x32: {  	s10 =	sld [smem:$0x3FB2];
	_ =	sdelay $0x3  }
0x33: {  	p0 =	seq.s32 s10, $0x1;
	s10 =	sld [smem:$0x3FB4];
	_ =	sdelay $0x3  }
0x34: {  	[smem:$0x3FB4] =	sst s10  }
0x35: {  	s10 =	sld [smem:$0x3FB3];
	_ =	sdelay $0x3  }
0x36: {  	p1 =	seq.s32 s10, $0x1;
	s10 =	sld [smem:$0x3FB4];
	_ =	sdelay $0x3  }
0x37: {  	[smem:$0x3FB4] =	sst s10  }
0x38: {  	s10 =	sld [smem:$0x3FB5]  }
0x39: {  	_ = 	snop;
	(pc) =	sbr.ind lr, $3  }
0x3a: {  	_ = 	snop  }
0x3b: {  	_ = 	snop  }
0x3c: {  	p2 =	seq.s32 s10, $0x1;
	s10 =	sld [smem:$0x3FB4]  }
0x3d: {  	_ =	shalt  }
0x3e: {  	_ =	shalt  }
0x3f: {  	_ =	shalt  }
0x40: {  	_ =	shalt  }
0x41: {  	_ =	shalt  }
0x42: {  	_ =	shalt  }
0x43: {  	_ =	shalt  }
0x44: {  	_ =	shalt  }
0x45: {  	_ =	shalt  }
0x46: {  	_ =	shalt  }
0x47: {  	_ =	shalt  }
0x48: {  	_ =	shalt  }
0x49: {  	_ =	shalt  }
0x4a: {  	_ =	shalt  }
0x4b: {  	_ =	shalt  }
0x4c: {  	_ =	shalt  }
0x4d: {  	_ =	shalt  }
0x4e: {  	_ =	shalt  }
0x4f: {  	_ =	shalt  }
0x50: {  	_ =	shalt  }
0x51: {  	_ =	shalt  }
0x52: {  	_ =	shalt  }
0x53: {  	_ =	shalt  }
0x54: {  	_ =	shalt  }
0x55: {  	_ =	shalt  }
0x56: {  	_ =	shalt  }
0x57: {  	_ =	shalt  }
0x58: {  	_ =	shalt  }
0x59: {  	_ =	shalt  }
0x5a: {  	_ =	shalt  }
0x5b: {  	_ =	shalt  }
0x5c: {  	_ =	shalt  }
0x5d: {  	_ =	shalt  }
0x5e: {  	_ =	shalt  }
0x5f: {  	_ =	shalt  }
0x60: {  	_ =	shalt  }
0x61: {  	_ =	shalt  }
0x62: {  	_ =	shalt  }
0x63: {  	_ =	shalt  }
0x64: {  	_ =	shalt  }
0x65: {  	_ =	shalt  }
0x66: {  	_ =	shalt  }
0x67: {  	_ =	shalt  }
0x68: {  	_ =	shalt  }
0x69: {  	_ =	shalt  }
0x6a: {  	_ =	shalt  }
0x6b: {  	_ =	shalt  }
0x6c: {  	_ =	shalt  }
0x6d: {  	_ =	shalt  }
0x6e: {  	_ =	shalt  }
0x6f: {  	_ =	shalt  }
0x70: {  	_ =	shalt  }
0x71: {  	_ =	shalt  }
0x72: {  	_ =	shalt  }
0x73: {  	_ =	shalt  }
0x74: {  	_ =	shalt  }
0x75: {  	_ =	shalt  }
0x76: {  	_ =	shalt  }
0x77: {  	_ =	shalt  }
0x78: {  	_ =	shalt  }
0x79: {  	_ =	shalt  }
0x7a: {  	_ =	shalt  }
0x7b: {  	_ =	shalt  }
0x7c: {  	_ =	shalt  }
0x7d: {  	_ =	shalt  }
0x7e: {  	_ =	shalt  }
0x7f: {  	_ =	shalt  }
0x80: {  	_ =	shalt  }
0x81: {  	_ =	shalt  }
0x82: {  	_ =	shalt  }
0x83: {  	_ =	shalt  }
0x84: {  	_ =	shalt  }
0x85: {  	_ =	shalt  }
0x86: {  	_ =	shalt  }
0x87: {  	_ =	shalt  }
.Lfunc_end0:
.L_simem_size_0:
called_computation_lowered:
.L_overlay_start_0:
0x88: {  	s2 =	sld [smem:$0x3FD9]  }
0x89: {  	s3 =	sld [smem:$0x3FFE];
	_ =	sdelay $0x1  }
0x8a: {  	s1 =	srdreg.scid  }
0x8b: {  	s0 =	sand.u32 $0x1, s1  }
0x8c: {  	s16 =	sshll.u32 s0, $0xA;
	s2 =	sadd.s32 s3, s2  }
0x8d: {  	s2 =	sadd.s32 s2, s16  }
0x8e: {  	[smem:$0x3FC0] =	sst s2  }
0x8f: {  	_ = 	snop  }
0x90: {  	(tm) =	ssettm $0x1  }
0x91: {  	s17 =	sld [smem:$0x3FFB];
	_ =	sdelay $0x3  }
0x92: {  	_ =	strace s17  }
0x93: {  	s2 =	sld [smem:$0x3FFC];
	_ =	sdelay $0x3  }
0x94: {  	_ =	strace s2  }
0x95: {  	s2 =	sld [smem:$0x3FFD];
	_ =	sdelay $0x3  }
0x96: {  	_ =	strace s2  }
0x97: {  	_ =	strace $0x8FFFFFFF  }
0x98: {  	s18 =	sld [smem:$0x3FDB];
	_ =	sdelay $0x1  }
0x99: {  	s19 =	simm.s32 $_scs_section_size  }
0x9a: {  	s4 =	simm.s32 $_size__tile_overlayer_lowered;
	s5 =	simm.s32 $_tile_overlayer_lowered  }
0x9b: {  	s22 =	simm.s32 $0x1BFF;
	s21 =	sshll.u32 s5, $0x1;
	s2 =	sadd.s32 s19, s18  }
0x9c: {  	s6 =	simm.s32 $0x0;
	s20 =	sshll.u32 s4, $0x1;
	s4 =	sadd.s32 s21, s2  }
0x9d: {  	[timem:s6], [sflag:s22] =	dma.local [hbm:s4], s20  }
0x9e: {  	_ =	swait.ge [sflag:s22], s20  }
0x9f: {  	s3 =	ssub.s32 $0x0, s20;
	[sflag:s22] =	ssyncset.done $0x0  }
0xa0: {  	[sflag:s22] =	ssyncadd.s32 s3;
	_ =	sdelay $0x1  }
0xa1: {  	s23 =	simm.s32 $0x1B8B  }
0xa2: {  	_ =	swait.ge [sflag:s23], $0x1  }
0xa3: {  	[sflag:s23] =	ssyncset.done $0x0  }
0xa4: {  	s25 =	simm.s32 $0x1B8E;
	s24 =	sld [smem:$0x3FFE];
	[sflag:s23] =	ssyncadd.s32 $0xFFFFFFFF  }
0xa5: {  	s26 =	simm.s32 $execute0_lowered;
	[smem:$0x3FD2] =	sst s25  }
0xa6: {  	s4 =	sshll.u32 s26, $0x1;
	_ =	strace $0x80000046;
	[dreg:$0x1] =	wrdreg $0xFFFFFFFF  }
0xa7: {  	s28 =	simm.s32 $_size_execute0_lowered;
	s2 =	sadd.s32 s2, s4;
	[dreg:$0x0] =	wrdreg $0x0  }
0xa8: {  	s4 =	sshll.u32 s28, $0x1;
	[dreg:$0x2] =	wrdreg s2  }
0xa9: {  	[dreg:$0x3] =	wrdreg s4  }
0xaa: {  	[dreg:$0x4] =	wrdreg $0xC0  }
0xab: {  	_ =	task [dreg:s6], $0x5FFFF  }
0xac: {  	[dreg:$0x1] =	wrdreg $0xFFFFFFFF  }
0xad: {  	[dreg:$0x0] =	wrdreg $0x60  }
0xae: {  	[dreg:$0x2] =	wrdreg s24  }
0xaf: {  	[dreg:$0x3] =	wrdreg $0x2A800  }
0xb0: {  	[dreg:$0x4] =	wrdreg $0x9  }
0xb1: {  	_ =	task.clear_ibuf [dreg:s6], $0x5FFFF;
	_ =	strace $0x90000046  }
0xb2: {  	s29 =	simm.s32 $0x9;
	_ =	strace $0x80000048  }
0xb3: {  	_ =	swait.ge [sflag:s29], $0x1  }
0xb4: {  	[sflag:s29] =	ssyncadd.s32 $0xFFFFFFFF  }
0xb5: {  	_ =	strace $0x90000048  }
0xb6: {  	_ =	sfence  }
0xb7: {  	s30 =	sld [smem:$0x0];
	_ =	sdelay $0x2  }
0xb8: {  	s31 =	sshll.u32 s1, $0xD;
	s1 =	sshrl.u32 s1, $0x2  }
0xb9: {  	s3 =	sand.u32 $0x4000, s31;
	s1 =	sadd.s32 s1, s30  }
0xba: {  	s0 =	sor.u32 s3, s0;
	s1 =	sshll.u32 s1, $0x11  }
0xbb: {  	s0 =	sor.u32 s1, s0  }
0xbc: {  	s0 =	sadd.s32 $0x8F2B, s0  }
0xbd: {  	[sflag:s0] =	ssyncadd.remote.s32 $0x1  }
0xbe: {  	_ =	sfence.sel $0xFFFF  }
0xbf: {  	[dreg:$0x0] =	wrdreg $0xFFFFFFFF;
	(pc) =	sbr.abs _section_cstart, $3  }
0xc0: {  	[dreg:$0x1] =	wrdreg $0xFFFFFFFF  }
0xc1: {  	_ =	task.clear_ibuf [dreg:s6], $0x2FFFF;
	_ =	strace $0x9FFFFFFF  }
0xc2: {  	(tm) =	ssettm $0x7FFFFFFF  }
0xc3: {  	_ =	shalt  }
tec
execute0_lowered:
.L_overlay_start_1:
0x0: {  	(tag) =	ssettag $0x1  }
0x1: {  	s0 =	srdreg.scid  }
0x2: {  	s4 =	sand.u32 $0x1, s0;
	s0 =	stileid.u32  }
0x3: {  	s5 =	rddreg [dreg:$0x0];
	s7 =	smul.u32 $0x280, s0  }
0x4: {  	s2 =	rddreg [dreg:$0x1];
	s9 =	smul.u32 $0x2800, s4  }
0x5: {  	s3 =	simm.s32 $0x0;
	s15 =	simm.s32 $0x2780;
	s13 =	smul.u32 $0x9C000, s4  }
0x6: {  	s16 =	simm.s32 $0x1;
	s17 =	simm.s32 $0x2;
	s14 =	smul.u32 $0x4E0, s4  }
0x7: {  	[smem:$0x7FF] =	sst s3;
	s1 =	sshll.u32 s4, $0x4;
	s29 =	smul.u32 $0x4E, s0  }
0x8: {  	s12 =	ssub.s32 $0x2, s4;
	s30 =	smul.u32 $0x9C00, s0;
	s18 =	sor.u32 s0, s1  }
0x9: {  	s1 =	rddreg [dreg:$0x2];
	_ =	strace $0x80000047;
	s28 =	sshrl.u32 s12, $0x1  }
0xa: {  	s6 =	smul.u32 $0x4E, s18;
	s8 =	smin.u32 s18, $0x4;
	s9 =	sadd.s32 s7, s9  }
0xb: {  	s12 =	ssub.s32 s12, s28;
	s4 =	sadd.s32 s7, s2;
	p0 =	sgt.u32 s18, $0x3  }
0xc: {  	s18 =	simm.s32 $0x0;
	s9 =	sshrl.u32 s9, $0x3;
	s6 =	sadd.s32 s8, s6  }
0xd: {  	s14 =	sor.u32 s14, s8;
	s7 =	smax.u32 s12, $0x1;
	s10 =	smin.u32 s6, $0x975  }
0xe: {  	s31 =	sshll.u32 s8, $0x9;
	s9 =	sadd.s32 s9, s5;
	s11 =	sshll.u32 s10, $0x4  }
0xf: {  	s10 =	ssub.s32 s6, s10;
	s6 =	sadd.s32 $0x15E00, s9;
	s11 =	sadd.s32 s11, s5  }
0x10: {  	s9 =	sadd.s32 s30, s13;
	s5 =	sadd.s32 $0xC040, s11;
	s11 =	sadd.s32 s29, s14  }
0x11: {  	s13 =	simm.s32 $0x3;
	s10 =	sshll.u32 s10, $0x9;
	s11 =	smin.u32 s11, $0x975  }
0x12: {  	s12 =	sadd.s32 s31, s9;
	s8 =	sshra.s32 s10, $0x2;
	s11 =	sshll.u32 s11, $0x9  }
0x13: {  	s14 =	simm.s32 $0x80;
	s9 =	sadd.s32 $0x80, s8;
	s11 =	ssub.s32 s12, s11  }
0x14: {  	v0 =	vimm.f32 $1.000000000e+00;
	v1 =	vimm.f32 $0.0e+00;
	s10 =	sadd.s32 $0x2700, s8;
	s12 =	simm.s32 $0x2800;
	s11 =	sshra.s32 s11, $0x2  }
.LBB2_1:
0x15: {  	[tilespmem:$0x2780] =	vst v0  }
0x16: {  	[tilespmem:$0x2790] =	vst v0  }
0x17: {  	[tilespmem:$0x27A0] =	vst v0  }
0x18: {  	[tilespmem:$0x27B0] =	vst v0  }
0x19: {  	[tilespmem:$0x27C0] =	vst v0  }
0x1a: {  	[tilespmem:$0x27D0] =	vst v0  }
0x1b: {  	[tilespmem:$0x27E0] =	vst v0  }
0x1c: {  	[tilespmem:$0x27F0] =	vst v0  }
0x1d: {  	[tilespmem:$0x2800] =	vst v1  }
0x1e: {  	[tilespmem:$0x2810] =	vst v1  }
0x1f: {  	[tilespmem:$0x2820] =	vst v1  }
0x20: {  	[tilespmem:$0x2830] =	vst v1  }
0x21: {  	[tilespmem:$0x2840] =	vst v1  }
0x22: {  	[tilespmem:$0x2850] =	vst v1  }
0x23: {  	[tilespmem:$0x2860] =	vst v1  }
0x24: {  	[tilespmem:$0x2870] =	vst v1  }
0x25: {  	[tilespmem:$0x2880] =	vst v1  }
0x26: {  	[tilespmem:$0x2890] =	vst v1  }
0x27: {  	[tilespmem:$0x28A0] =	vst v1  }
0x28: {  	[tilespmem:$0x28B0] =	vst v1  }
0x29: {  	[tilespmem:$0x28C0] =	vst v1  }
0x2a: {  	[tilespmem:$0x28D0] =	vst v1  }
0x2b: {  	[tilespmem:$0x28E0] =	vst v1  }
0x2c: {  	[tilespmem:$0x28F0] =	vst v1  }
0x2d: {  	[tilespmem:$0x2900] =	vst v1  }
0x2e: {  	[tilespmem:$0x2910] =	vst v1  }
0x2f: {  	[tilespmem:$0x2920] =	vst v1  }
0x30: {  	[tilespmem:$0x2930] =	vst v1  }
0x31: {  	[tilespmem:$0x2940] =	vst v1  }
0x32: {  	[tilespmem:$0x2950] =	vst v1  }
0x33: {  	[tilespmem:$0x2960] =	vst v1  }
0x34: {  	[tilespmem:$0x2970] =	vst v1  }
0x35: {  	[tilespmem:$0x2980] =	vst v1  }
0x36: {  	[tilespmem:$0x2990] =	vst v1  }
0x37: {  	[tilespmem:$0x29A0] =	vst v1  }
0x38: {  	[tilespmem:$0x29B0] =	vst v1  }
0x39: {  	[tilespmem:$0x29C0] =	vst v1  }
0x3a: {  	[tilespmem:$0x29D0] =	vst v1  }
0x3b: {  	[tilespmem:$0x29E0] =	vst v1  }
0x3c: {  	[tilespmem:$0x29F0] =	vst v1  }
0x3d: {  	[tilespmem:$0x2A00] =	vst v1  }
0x3e: {  	[tilespmem:$0x2A10] =	vst v1  }
0x3f: {  	[tilespmem:$0x2A20] =	vst v1  }
0x40: {  	[tilespmem:$0x2A30] =	vst v1  }
0x41: {  	[tilespmem:$0x2A40] =	vst v1  }
0x42: {  	[tilespmem:$0x2A50] =	vst v1  }
0x43: {  	[tilespmem:$0x2A60] =	vst v1  }
0x44: {  	[tilespmem:$0x2A70] =	vst v1  }
0x45: {  	[spmem:s4] =	stream.linear.scatter [tilespmem:s12], [sflag:$0x3], $0x280, $0x38;
	[tilespmem:$0x2D00] =	vst v63  }
0x46: {  	_ =	swait.ge [sflag:s13], $0x280  }
0x47: {  	[sflag:s13] =	ssyncset.done $0x0  }
0x48: {  	[sflag:s13] =	ssyncadd.s32 $0xFFFFFD80  }
0x49: {  	[tilespmem:s3], [sflag:$0x3] =	stream.linear.gather [hbm4b:s5+s3], $0x2780, $0x38;
	[tilespmem:$0x2D00] =	vst v63  }
0x4a: {  	_ =	swait.ge [sflag:s13], $0x2780  }
0x4b: {  	[sflag:s13] =	ssyncset.done $0x0  }
0x4c: {  	[sflag:s13] =	ssyncadd.s32 $0xFFFFD880  }
0x4d: {  	[bflag:$0x0] =	sbarrier.arrive $0xFFFF  }
0x4e: {  	[spmem:s2] =	stream.indirect.scatter.add.f32 [tilespmem:s15], [sflag:$0x1], $0x1, s8, s14, $0xb8;
	[tilespmem:$0x2D00] =	vst v63  }
0x4f: {  	_ = 	snop  }
0x50: {  	[spmem:s2] =	stream.indirect.scatter.add.f32 [tilespmem:s15], [sflag:$0x2], $0x1, s9, s14, $0xb8;
	[tilespmem:$0x2D00] =	vst v63  }
0x51: {  	_ =	swait.ge [sflag:s16], $0x80  }
0x52: {  	s20 =	sadd.s32 $0xFFFFDA00, s11;
	[sflag:s16] =	ssyncset.done $0x0  }
0x53: {  	s19 =	sadd.s32 $0x2700, s20;
	[sflag:s16] =	ssyncadd.s32 $0xFFFFFF80  }
0x54: {  	[spmem:s2] =	stream.indirect.scatter.add.f32 [tilespmem:s15], [sflag:$0x1], $0x1, s19, s14, $0xb8;
	[tilespmem:$0x2D00] =	vst v63  }
0x55: {  	_ =	swait.ge [sflag:s17], $0x80  }
0x56: {  	[sflag:s17] =	ssyncset.done $0x0  }
0x57: {  	s20 =	sadd.s32 $0x2780, s20;
	s19 =	simm.s32 $0xFFFF6C00;
	[sflag:s17] =	ssyncadd.s32 $0xFFFFFF80  }
.LBB2_2:
0x58: {  	[spmem:s2] =	stream.indirect.scatter.add.f32 [tilespmem:s15], [sflag:$0x2], $0x1, s20, s14, $0xb8;
	[tilespmem:$0x2D00] =	vst v63  }
0x59: {  	s20 =	sshra.s32 s19, $0x2;
	p1 =	sne.s32 s19, $0xFFFFFC00;
	_ =	swait.ge [sflag:s16], $0x80  }
0x5a: {  	s19 =	sadd.s32 $0x400, s19;
	s20 =	sadd.s32 s20, s11;
	[sflag:s16] =	ssyncset.done $0x0  }
.Ltmp0:
0x5b: {  	s21 =	sadd.s32 $0x2700, s20;
	[sflag:s16] =	ssyncadd.s32 $0xFFFFFF80;
	(pc) =	sbr.rel @p1 .LBB2_2-.Ltmp0, $4  }
0x5c: {  	[spmem:s2] =	stream.indirect.scatter.add.f32 [tilespmem:s15], [sflag:$0x1], $0x1, s21, s14, $0xb8;
	[tilespmem:$0x2D00] =	vst v63  }
0x5d: {  	_ =	swait.ge [sflag:s17], $0x80  }
0x5e: {  	[sflag:s17] =	ssyncset.done $0x0  }
0x5f: {  	s20 =	sadd.s32 $0x2780, s20;
	[sflag:s17] =	ssyncadd.s32 $0xFFFFFF80  }
0x60: {  	[spmem:s2] =	stream.indirect.scatter.add.f32 [tilespmem:s15], [sflag:$0x2], $0x1, s20, s14, $0xb8;
	[tilespmem:$0x2D00] =	vst v63  }
0x61: {  	s19 =	simm.s32 @!p0 $0x1  }
0x62: {  	_ =	swait.ge @!p0 [sflag:s19], $0x80  }
0x63: {  	[sflag:s19] =	ssyncset.done @!p0 $0x0  }
0x64: {  	s20 =	simm.s32 @!p0 $0x2780;
	[sflag:s19] =	ssyncadd.s32 @!p0 $0xFFFFFF80;
	s19 =	simm.s32 @!p0 $0x80  }
0x65: {  	[spmem:s2] =	stream.indirect.scatter.add.f32 @!p0 [tilespmem:s20], [sflag:$0x1], $0x1, s10, s19, $0xb8;
	[tilespmem:$0x2D00] =	vst v63  }
0x66: {  	_ =	swait.ge [sflag:s16], $0x80  }
0x67: {  	[sflag:s16] =	ssyncset.done $0x0  }
0x68: {  	[sflag:s16] =	ssyncadd.s32 $0xFFFFFF80  }
0x69: {  	_ =	swait.ge [sflag:s17], $0x80  }
0x6a: {  	[sflag:s17] =	ssyncset.done $0x0  }
0x6b: {  	[sflag:s17] =	ssyncadd.s32 $0xFFFFFF80  }
0x6c: {  	[bflag:$0x0] =	sbarrier.arrive $0xFFFF  }
0x6d: {  	[tilespmem:s12], [sflag:$0x3] =	stream.linear.gather [spmem:s4], $0x280, $0x38;
	[tilespmem:$0x2D00] =	vst v63  }
0x6e: {  	s18 =	sadd.s32 $0x1, s18;
	_ =	swait.ge [sflag:s13], $0x280  }
0x6f: {  	p1 =	sne.s32 s18, s7;
	[sflag:s13] =	ssyncset.done $0x0  }
.Ltmp1:
0x70: {  	[sflag:s13] =	ssyncadd.s32 $0xFFFFFD80;
	(pc) =	sbr.rel @p1 .LBB2_1-.Ltmp1, $4  }
0x71: {  	[hbm4b:s6+s3] =	stream.linear.scatter [tilespmem:s12], [sflag:$0x3], $0x280, $0x38;
	[tilespmem:$0x2D00] =	vst v63  }
0x72: {  	_ =	swait.ge [sflag:s13], $0x280  }
0x73: {  	[sflag:s13] =	ssyncset.done $0x0  }
0x74: {  	[sflag:s13] =	ssyncadd.s32 $0xFFFFFD80  }
0x75: {  	_ =	sfence.sel $0x180000  }
0x76: {  	[bflag:$0x0] =	sbarrier.arrive $0xFFFF  }
0x77: {  	p0 =	sne.s32 s0, $0x0;
	_ =	strace $0x90000047  }
0x78: {  	s0 =	sadd.s32 @!p0 $0x100000, s1;
	[bflag:$0x2] =	sbarrier.arrive $0xFFFF  }
0x79: {  	[sflag:s0] =	ssyncadd.tile.s32 @!p0 $0x1;
	_ =	shalt  }
.Lfunc_end2:
_tile_overlayer_lowered:
.L_overlay_start_2:
0x7a: {  	(tag) =	ssettag $0x2  }
0x7b: {  	s0 =	rddreg [dreg:$0x0];
	s2 =	stileid.u32  }
0x7c: {  	s1 =	rddreg [dreg:$0x1];
	p0 =	sne.s32 s2, $0x0  }
0x7d: {  	s3 =	rddreg [dreg:$0x2];
	[bflag:$0x3] =	sbarrier.arrive $0xFFFF;
	s2 =	simm.s32 @!p0 $0x1C03  }
0x7e: {  	[timem:s3], [sflag:s2] =	dma.local @!p0 [hbm:s0], s1  }
0x7f: {  	s0 =	simm.s32 @!p0 $0x3  }
0x80: {  	_ =	swait.ge @!p0 [sflag:s0], s1  }
0x81: {  	s1 =	ssub.s32 @!p0 $0x0, s1;
	[sflag:s0] =	ssyncset.done @!p0 $0x0  }
0x82: {  	[sflag:s0] =	ssyncadd.s32 @!p0 s1  }
0x83: {  	[bflag:$0x3] =	sbarrier.arrive $0xFFFF  }
0x84: {  	_ =	shalt  }

</sc_bundles>
